<compile_context>
chip_gen: v7x
topology: tpu7x:2x2x1
jax: 0.10.2.dev20260603
libtpu: 0.0.44.dev20260713+nightly
codegen_flags: <defaults>
</compile_context>

<pallas_src>
import functools

import jax
import jax.numpy as jnp
from jax import lax
from jax.experimental import pallas as pl
from jax.experimental.pallas import tpu as pltpu
from jax.experimental.pallas import tpu_sc as plsc

_BSZ, _SEQ, _H, _E = 4, 4096, 256, 32
_TOP_K = 1
_ALPHA = 0.001
_SCALE = 1.0
_NROW = _BSZ * _SEQ

_G = 2
_S = 2
_C = _NROW // (_G * _S)
_RSTEP = _C * _S



def _gate_body(*refs):
    x_refs = refs[:_S]
    w_ref = refs[_S]
    idx_ref, wgt_ref, ssum_ref = refs[_S + 1:]
    i = pl.program_id(0)

    @pl.when(i == 0)
    def _init():
        ssum_ref[...] = jnp.zeros_like(ssum_ref)

    w = w_ref[...]
    liota = jax.lax.broadcasted_iota(jnp.int32, (1, 128), 1)
    for s in range(_S):
        x = x_refs[s][...]
        logits = jax.lax.dot_general(
            w, x, (((1,), (1,)), ((), ())), preferred_element_type=jnp.float32
        )
        colmax = jnp.max(logits, axis=0, keepdims=True)
        ex = jnp.exp(logits - colmax)
        denom = jnp.sum(ex, axis=0, keepdims=True)
        eiota = jax.lax.broadcasted_iota(jnp.int32, logits.shape, 0)
        idx = jnp.min(jnp.where(logits == colmax, eiota, _E), axis=0, keepdims=True)
        sl = slice(s * _C, (s + 1) * _C)
        idx_ref[0, 0, sl] = idx[0]
        wgt_ref[0, 0, sl] = (_SCALE / denom)[0]

        probs = ex / denom
        r = i * _S + s
        b = r // (_SEQ // _C)
        bmask = (liota == b).astype(jnp.float32)
        ssum_ref[...] += jnp.sum(probs, axis=1, keepdims=True) * bmask


def _mk_x_spec(s):
    return pl.BlockSpec((_C, _H), lambda i, s=s: (i * _S + s, 0))


def _tc_gate(x, weight):
    return pl.pallas_call(
        _gate_body,
        grid=(_G,),
        in_specs=[_mk_x_spec(s) for s in range(_S)]
        + [pl.BlockSpec((_E, _H), lambda i: (0, 0))],
        out_specs=[
            pl.BlockSpec((1, 1, _RSTEP), lambda i: (i, 0, 0)),
            pl.BlockSpec((1, 1, _RSTEP), lambda i: (i, 0, 0)),
            pl.BlockSpec((_E, 128), lambda i: (0, 0)),
        ],
        out_shape=[
            jax.ShapeDtypeStruct((_G, 1, _RSTEP), jnp.int32),
            jax.ShapeDtypeStruct((_G, 1, _RSTEP), jnp.float32),
            jax.ShapeDtypeStruct((_E, 128), jnp.float32),
        ],
    )(*([x] * _S), weight)



_NSUB = 16
_TPT = _NROW // _NSUB
_VECS = _TPT // 16
_AUX_CONST = _ALPHA * _E / (_SEQ * float(_SEQ) * _BSZ)


def _sc_aux_body(idx_hbm, ssum_hbm, out_hbm, idx_v, hist_v, ssum_v, cnts_v,
                 out_v, stage_hbm):
    c = lax.axis_index("c")
    sid = lax.axis_index("s")
    on_core0 = c == 0

    @pl.when(on_core0)
    def _count():
        pltpu.sync_copy(idx_hbm.at[pl.ds(sid * _TPT, _TPT)], idx_v)
        zero16 = jnp.zeros((16,), jnp.float32)
        hist_v[pl.ds(0, 16)] = zero16
        hist_v[pl.ds(16, 16)] = zero16
        ones = jnp.ones((16,), jnp.float32)
        for k in range(_VECS):
            v = idx_v[pl.ds(k * 16, 16)]
            plsc.addupdate_scatter(hist_v, [v], ones)
        pltpu.sync_copy(hist_v, stage_hbm.at[sid])

    plsc.subcore_barrier()

    @pl.when(jnp.logical_and(on_core0, sid == 0))
    def _finalize():
        pltpu.sync_copy(stage_hbm, cnts_v)
        pltpu.sync_copy(ssum_hbm, ssum_v)
        iota16 = lax.iota(jnp.int32, 16)
        acc = jnp.zeros((16,), jnp.float32)
        tiles_per_batch = _NSUB // _BSZ
        for b in range(_BSZ):
            for h in range(2):
                cnt = jnp.zeros((16,), jnp.float32)
                for t in range(tiles_per_batch):
                    cnt = cnt + cnts_v[b * tiles_per_batch + t, pl.ds(h * 16, 16)]
                rows = iota16 + (h * 16)
                cols = jnp.full((16,), b, jnp.int32)
                sv = plsc.load_gather(ssum_v, [rows, cols])
                acc = acc + cnt * sv
        total = lax.reduce_sum_p.bind(acc, axes=(0,))
        out_v[...] = jnp.where(iota16 == 0,
                               jnp.full((16,), total * _AUX_CONST, jnp.float32),
                               jnp.zeros((16,), jnp.float32))
        pltpu.sync_copy(out_v, out_hbm)


_sc_aux = functools.partial(
    pl.kernel,
    mesh=plsc.VectorSubcoreMesh(core_axis_name="c", subcore_axis_name="s"),
    out_type=jax.ShapeDtypeStruct((16,), jnp.float32),
    compiler_params=pltpu.CompilerParams(needs_layout_passes=False),
    scratch_types=[
        pltpu.VMEM((_TPT,), jnp.int32),
        pltpu.VMEM((_E,), jnp.float32),
        pltpu.VMEM((_E, 128), jnp.float32),
        pltpu.VMEM((_NSUB, _E), jnp.float32),
        pltpu.VMEM((16,), jnp.float32),
        pltpu.HBM((_NSUB, _E), jnp.float32),
    ],
)(_sc_aux_body)


def kernel(hidden_states, weight):
    x = hidden_states.reshape(-1, _H)
    idxs, wgts, ssum = _tc_gate(x, weight)
    idx_flat = idxs.reshape(-1)
    aux = _sc_aux(idx_flat, ssum)
    topk_idx = idxs.reshape(-1, _TOP_K)
    topk_weight = wgts.reshape(-1, _TOP_K)
    return (topk_idx, topk_weight, aux[0])

# --- scband reference (transcript-rebuilt; emitter-appended) ---
"""Pipeline reference for scband-mo-egate-65060164600321 (READ-ONLY COPY).

The authoritative reference and input builder live on the scoring server;
editing this copy changes nothing except your own understanding.
"""

import jax, jax.numpy as jnp
import numpy as np

BSZ, SEQ_LEN, H, E = 4, 4096, 256, 32
TOP_K = 1
ALPHA = 0.001
ROUTED_SCALING_FACTOR = 1.0


def setup_inputs(seed: int = 0) -> dict:
    key = jax.random.key(seed)
    k1, k2 = jax.random.split(key)
    hidden_states = jax.random.normal(k1, (BSZ, SEQ_LEN, H), dtype=jnp.float32)
    # kaiming_uniform_ with a=sqrt(5): bound = sqrt(6 / ((1 + a^2) * fan_in)) = 1/sqrt(fan_in)
    bound = 1.0 / float(np.sqrt(H))
    weight = jax.random.uniform(k2, (E, H), minval=-bound, maxval=bound, dtype=jnp.float32)
    return {"hidden_states": hidden_states, "weight": weight}


def reference(hidden_states, weight):
    bsz, seq_len, h = hidden_states.shape
    n_experts = weight.shape[0]
    x = hidden_states.reshape(-1, h).astype(jnp.float32)
    logits = x @ weight.astype(jnp.float32).T
    scores = jax.nn.softmax(logits, axis=-1)
    # greedy top-k
    _, topk_idx = jax.lax.top_k(scores, TOP_K)
    topk_weight = jnp.take_along_axis(scores, topk_idx, axis=-1)
    # top_k == 1 and norm_topk_prob False -> just scale
    topk_weight = topk_weight * ROUTED_SCALING_FACTOR
    # aux loss (training mode, seq_aux=True, alpha=0.001)
    aux_topk = TOP_K
    idx_flat = topk_idx.reshape(bsz, seq_len * aux_topk)
    row_ids = jnp.repeat(jnp.arange(bsz), seq_len * aux_topk)
    ce = jnp.zeros((bsz, n_experts), jnp.float32).at[row_ids, idx_flat.reshape(-1)].add(1.0)
    ce = ce / (seq_len * aux_topk / n_experts)
    scores_for_seq_aux = scores.reshape(bsz, seq_len, n_experts)
    aux_loss = (ce * scores_for_seq_aux.mean(axis=1)).sum(axis=1).mean() * ALPHA
    return (topk_idx, topk_weight, aux_loss)

if __name__ == "__main__":
    import jax
    _d = setup_inputs()
    print(jax.jit(kernel)(*tuple(_d.values())))

</pallas_src>

<mosaic_0001>
#map = affine_map<(d0, d1) -> (0)>
#map1 = affine_map<(d0, d1) -> (0, 0)>
module attributes {stable_mosaic.version = 14 : i64} {
  func.func @_sc_aux_body(%arg0: i32, %arg1: i32, %arg2: memref<16384xi32, #tpu.memory_space<hbm>>, %arg3: memref<32x128xf32, #tpu.memory_space<hbm>>, %arg4: memref<16xf32, #tpu.memory_space<hbm>>, %arg5: memref<1024xi32, #tpu.memory_space<vmem>>, %arg6: memref<32xf32, #tpu.memory_space<vmem>>, %arg7: memref<32x128xf32, #tpu.memory_space<vmem>>, %arg8: memref<16x32xf32, #tpu.memory_space<vmem>>, %arg9: memref<16xf32, #tpu.memory_space<vmem>>, %arg10: memref<16x32xf32, #tpu.memory_space<hbm>>) attributes {dimension_semantics = [#tpu.dimension_semantics<core_parallel>, #tpu.dimension_semantics<subcore_parallel>], iteration_bounds = array<i64: 2, 16>, scalar_prefetch = 0 : i64, scratch_operands = 6 : i64, tpu.core_type = #tpu.core_type<sc_vector_subcore>, window_params = [{transform_indices = #map}, {transform_indices = #map1}, {transform_indices = #map}]} {
    %eq3A = arith.constant 0 : i32
    %eq3A_0 = arith.cmpi eq, %arg0, %eq3A : i32
    %convert_element_type3A = arith.extui %eq3A_0 : i1 to i32
    %cond3A = arith.constant 0 : i32
    %cond3A_1 = arith.cmpi ne, %convert_element_type3A, %cond3A : i32
    scf.if %cond3A_1 {
      %mul3A = arith.constant 1024 : i32
      %mul3A_7 = arith.muli %arg1, %mul3A : i32
      "tpu.region"() ({
        %run_scoped3A = tpu.sem_alloc : memref<!tpu.dma_semaphore, #tpu.memory_space<semaphore_mem>>
        %dma_start3A = tpu.memref_slice %arg2[%mul3A_7] : memref<16384xi32, #tpu.memory_space<hbm>> -> memref<1024xi32, #tpu.memory_space<hbm>>
        %dma_start3A_141 = tpu.memref_slice %arg2[%mul3A_7] : memref<16384xi32, #tpu.memory_space<hbm>> -> memref<1024xi32, #tpu.memory_space<hbm>>
        tpu.enqueue_dma source(%dma_start3A_141 : memref<1024xi32, #tpu.memory_space<hbm>>) target(%arg5 : memref<1024xi32, #tpu.memory_space<vmem>>) target_semaphore(%run_scoped3A : memref<!tpu.dma_semaphore, #tpu.memory_space<semaphore_mem>>)
        %dma_wait3A = tpu.memref_slice %arg2[%mul3A_7] : memref<16384xi32, #tpu.memory_space<hbm>> -> memref<1024xi32, #tpu.memory_space<hbm>>
        %dma_wait3A_142 = tpu.memref_slice %arg2[%mul3A_7] : memref<16384xi32, #tpu.memory_space<hbm>> -> memref<1024xi32, #tpu.memory_space<hbm>>
        tpu.wait_dma2 semaphore(%run_scoped3A : memref<!tpu.dma_semaphore, #tpu.memory_space<semaphore_mem>>) src(%dma_wait3A_142 : memref<1024xi32, #tpu.memory_space<hbm>>) dst(%arg5 : memref<1024xi32, #tpu.memory_space<vmem>>)
        tpu.yield
      }) : () -> ()
      %broadcast_in_dim3A = arith.constant 0.000000e+00 : f32
      %broadcast_in_dim3A_8 = vector.broadcast %broadcast_in_dim3A : f32 to vector<16xf32>
      %swap3A = arith.constant 0 : index
      %swap3A_9 = tpu.vector_load %arg6[%swap3A] {strides = array<i32>} : memref<32xf32, #tpu.memory_space<vmem>>, vector<16xf32>,
      tpu.vector_store %arg6[%swap3A], %broadcast_in_dim3A_8 {strides = array<i32>} : memref<32xf32, #tpu.memory_space<vmem>>, vector<16xf32>,
      %swap3A_10 = arith.constant 16 : index
      %swap3A_11 = tpu.vector_load %arg6[%swap3A_10] {strides = array<i32>} : memref<32xf32, #tpu.memory_space<vmem>>, vector<16xf32>,
      tpu.vector_store %arg6[%swap3A_10], %broadcast_in_dim3A_8 {strides = array<i32>} : memref<32xf32, #tpu.memory_space<vmem>>, vector<16xf32>,
      %broadcast_in_dim3A_12 = arith.constant 1.000000e+00 : f32
      %broadcast_in_dim3A_13 = vector.broadcast %broadcast_in_dim3A_12 : f32 to vector<16xf32>
      %get3A = arith.constant 0 : index
      %get3A_14 = tpu.vector_load %arg5[%get3A] {strides = array<i32>} : memref<1024xi32, #tpu.memory_space<vmem>>, vector<16xi32>,
      tpu.vector_store_idx %arg6[%get3A_14], %broadcast_in_dim3A_13 {add = true} : memref<32xf32, #tpu.memory_space<vmem>>[vector<16xi32>], vector<16xf32>,
      %get3A_15 = arith.constant 16 : index
      %get3A_16 = tpu.vector_load %arg5[%get3A_15] {strides = array<i32>} : memref<1024xi32, #tpu.memory_space<vmem>>, vector<16xi32>,
      tpu.vector_store_idx %arg6[%get3A_16], %broadcast_in_dim3A_13 {add = true} : memref<32xf32, #tpu.memory_space<vmem>>[vector<16xi32>], vector<16xf32>,
      %get3A_17 = arith.constant 32 : index
      %get3A_18 = tpu.vector_load %arg5[%get3A_17] {strides = array<i32>} : memref<1024xi32, #tpu.memory_space<vmem>>, vector<16xi32>,
      tpu.vector_store_idx %arg6[%get3A_18], %broadcast_in_dim3A_13 {add = true} : memref<32xf32, #tpu.memory_space<vmem>>[vector<16xi32>], vector<16xf32>,
      %get3A_19 = arith.constant 48 : index
      %get3A_20 = tpu.vector_load %arg5[%get3A_19] {strides = array<i32>} : memref<1024xi32, #tpu.memory_space<vmem>>, vector<16xi32>,
      tpu.vector_store_idx %arg6[%get3A_20], %broadcast_in_dim3A_13 {add = true} : memref<32xf32, #tpu.memory_space<vmem>>[vector<16xi32>], vector<16xf32>,
      %get3A_21 = arith.constant 64 : index
      %get3A_22 = tpu.vector_load %arg5[%get3A_21] {strides = array<i32>} : memref<1024xi32, #tpu.memory_space<vmem>>, vector<16xi32>,
      tpu.vector_store_idx %arg6[%get3A_22], %broadcast_in_dim3A_13 {add = true} : memref<32xf32, #tpu.memory_space<vmem>>[vector<16xi32>], vector<16xf32>,
      %get3A_23 = arith.constant 80 : index
      %get3A_24 = tpu.vector_load %arg5[%get3A_23] {strides = array<i32>} : memref<1024xi32, #tpu.memory_space<vmem>>, vector<16xi32>,
      tpu.vector_store_idx %arg6[%get3A_24], %broadcast_in_dim3A_13 {add = true} : memref<32xf32, #tpu.memory_space<vmem>>[vector<16xi32>], vector<16xf32>,
      %get3A_25 = arith.constant 96 : index
      %get3A_26 = tpu.vector_load %arg5[%get3A_25] {strides = array<i32>} : memref<1024xi32, #tpu.memory_space<vmem>>, vector<16xi32>,
      tpu.vector_store_idx %arg6[%get3A_26], %broadcast_in_dim3A_13 {add = true} : memref<32xf32, #tpu.memory_space<vmem>>[vector<16xi32>], vector<16xf32>,
      %get3A_27 = arith.constant 112 : index
      %get3A_28 = tpu.vector_load %arg5[%get3A_27] {strides = array<i32>} : memref<1024xi32, #tpu.memory_space<vmem>>, vector<16xi32>,
      tpu.vector_store_idx %arg6[%get3A_28], %broadcast_in_dim3A_13 {add = true} : memref<32xf32, #tpu.memory_space<vmem>>[vector<16xi32>], vector<16xf32>,
      %get3A_29 = arith.constant 128 : index
      %get3A_30 = tpu.vector_load %arg5[%get3A_29] {strides = array<i32>} : memref<1024xi32, #tpu.memory_space<vmem>>, vector<16xi32>,
      tpu.vector_store_idx %arg6[%get3A_30], %broadcast_in_dim3A_13 {add = true} : memref<32xf32, #tpu.memory_space<vmem>>[vector<16xi32>], vector<16xf32>,
      %get3A_31 = arith.constant 144 : index
      %get3A_32 = tpu.vector_load %arg5[%get3A_31] {strides = array<i32>} : memref<1024xi32, #tpu.memory_space<vmem>>, vector<16xi32>,
      tpu.vector_store_idx %arg6[%get3A_32], %broadcast_in_dim3A_13 {add = true} : memref<32xf32, #tpu.memory_space<vmem>>[vector<16xi32>], vector<16xf32>,
      %get3A_33 = arith.constant 160 : index
      %get3A_34 = tpu.vector_load %arg5[%get3A_33] {strides = array<i32>} : memref<1024xi32, #tpu.memory_space<vmem>>, vector<16xi32>,
      tpu.vector_store_idx %arg6[%get3A_34], %broadcast_in_dim3A_13 {add = true} : memref<32xf32, #tpu.memory_space<vmem>>[vector<16xi32>], vector<16xf32>,
      %get3A_35 = arith.constant 176 : index
      %get3A_36 = tpu.vector_load %arg5[%get3A_35] {strides = array<i32>} : memref<1024xi32, #tpu.memory_space<vmem>>, vector<16xi32>,
      tpu.vector_store_idx %arg6[%get3A_36], %broadcast_in_dim3A_13 {add = true} : memref<32xf32, #tpu.memory_space<vmem>>[vector<16xi32>], vector<16xf32>,
      %get3A_37 = arith.constant 192 : index
      %get3A_38 = tpu.vector_load %arg5[%get3A_37] {strides = array<i32>} : memref<1024xi32, #tpu.memory_space<vmem>>, vector<16xi32>,
      tpu.vector_store_idx %arg6[%get3A_38], %broadcast_in_dim3A_13 {add = true} : memref<32xf32, #tpu.memory_space<vmem>>[vector<16xi32>], vector<16xf32>,
      %get3A_39 = arith.constant 208 : index
      %get3A_40 = tpu.vector_load %arg5[%get3A_39] {strides = array<i32>} : memref<1024xi32, #tpu.memory_space<vmem>>, vector<16xi32>,
      tpu.vector_store_idx %arg6[%get3A_40], %broadcast_in_dim3A_13 {add = true} : memref<32xf32, #tpu.memory_space<vmem>>[vector<16xi32>], vector<16xf32>,
      %get3A_41 = arith.constant 224 : index
      %get3A_42 = tpu.vector_load %arg5[%get3A_41] {strides = array<i32>} : memref<1024xi32, #tpu.memory_space<vmem>>, vector<16xi32>,
      tpu.vector_store_idx %arg6[%get3A_42], %broadcast_in_dim3A_13 {add = true} : memref<32xf32, #tpu.memory_space<vmem>>[vector<16xi32>], vector<16xf32>,
      %get3A_43 = arith.constant 240 : index
      %get3A_44 = tpu.vector_load %arg5[%get3A_43] {strides = array<i32>} : memref<1024xi32, #tpu.memory_space<vmem>>, vector<16xi32>,
      tpu.vector_store_idx %arg6[%get3A_44], %broadcast_in_dim3A_13 {add = true} : memref<32xf32, #tpu.memory_space<vmem>>[vector<16xi32>], vector<16xf32>,
      %get3A_45 = arith.constant 256 : index
      %get3A_46 = tpu.vector_load %arg5[%get3A_45] {strides = array<i32>} : memref<1024xi32, #tpu.memory_space<vmem>>, vector<16xi32>,
      tpu.vector_store_idx %arg6[%get3A_46], %broadcast_in_dim3A_13 {add = true} : memref<32xf32, #tpu.memory_space<vmem>>[vector<16xi32>], vector<16xf32>,
      %get3A_47 = arith.constant 272 : index
      %get3A_48 = tpu.vector_load %arg5[%get3A_47] {strides = array<i32>} : memref<1024xi32, #tpu.memory_space<vmem>>, vector<16xi32>,
      tpu.vector_store_idx %arg6[%get3A_48], %broadcast_in_dim3A_13 {add = true} : memref<32xf32, #tpu.memory_space<vmem>>[vector<16xi32>], vector<16xf32>,
      %get3A_49 = arith.constant 288 : index
      %get3A_50 = tpu.vector_load %arg5[%get3A_49] {strides = array<i32>} : memref<1024xi32, #tpu.memory_space<vmem>>, vector<16xi32>,
      tpu.vector_store_idx %arg6[%get3A_50], %broadcast_in_dim3A_13 {add = true} : memref<32xf32, #tpu.memory_space<vmem>>[vector<16xi32>], vector<16xf32>,
      %get3A_51 = arith.constant 304 : index
      %get3A_52 = tpu.vector_load %arg5[%get3A_51] {strides = array<i32>} : memref<1024xi32, #tpu.memory_space<vmem>>, vector<16xi32>,
      tpu.vector_store_idx %arg6[%get3A_52], %broadcast_in_dim3A_13 {add = true} : memref<32xf32, #tpu.memory_space<vmem>>[vector<16xi32>], vector<16xf32>,
      %get3A_53 = arith.constant 320 : index
      %get3A_54 = tpu.vector_load %arg5[%get3A_53] {strides = array<i32>} : memref<1024xi32, #tpu.memory_space<vmem>>, vector<16xi32>,
      tpu.vector_store_idx %arg6[%get3A_54], %broadcast_in_dim3A_13 {add = true} : memref<32xf32, #tpu.memory_space<vmem>>[vector<16xi32>], vector<16xf32>,
      %get3A_55 = arith.constant 336 : index
      %get3A_56 = tpu.vector_load %arg5[%get3A_55] {strides = array<i32>} : memref<1024xi32, #tpu.memory_space<vmem>>, vector<16xi32>,
      tpu.vector_store_idx %arg6[%get3A_56], %broadcast_in_dim3A_13 {add = true} : memref<32xf32, #tpu.memory_space<vmem>>[vector<16xi32>], vector<16xf32>,
      %get3A_57 = arith.constant 352 : index
      %get3A_58 = tpu.vector_load %arg5[%get3A_57] {strides = array<i32>} : memref<1024xi32, #tpu.memory_space<vmem>>, vector<16xi32>,
      tpu.vector_store_idx %arg6[%get3A_58], %broadcast_in_dim3A_13 {add = true} : memref<32xf32, #tpu.memory_space<vmem>>[vector<16xi32>], vector<16xf32>,
      %get3A_59 = arith.constant 368 : index
      %get3A_60 = tpu.vector_load %arg5[%get3A_59] {strides = array<i32>} : memref<1024xi32, #tpu.memory_space<vmem>>, vector<16xi32>,
      tpu.vector_store_idx %arg6[%get3A_60], %broadcast_in_dim3A_13 {add = true} : memref<32xf32, #tpu.memory_space<vmem>>[vector<16xi32>], vector<16xf32>,
      %get3A_61 = arith.constant 384 : index
      %get3A_62 = tpu.vector_load %arg5[%get3A_61] {strides = array<i32>} : memref<1024xi32, #tpu.memory_space<vmem>>, vector<16xi32>,
      tpu.vector_store_idx %arg6[%get3A_62], %broadcast_in_dim3A_13 {add = true} : memref<32xf32, #tpu.memory_space<vmem>>[vector<16xi32>], vector<16xf32>,
      %get3A_63 = arith.constant 400 : index
      %get3A_64 = tpu.vector_load %arg5[%get3A_63] {strides = array<i32>} : memref<1024xi32, #tpu.memory_space<vmem>>, vector<16xi32>,
      tpu.vector_store_idx %arg6[%get3A_64], %broadcast_in_dim3A_13 {add = true} : memref<32xf32, #tpu.memory_space<vmem>>[vector<16xi32>], vector<16xf32>,
      %get3A_65 = arith.constant 416 : index
      %get3A_66 = tpu.vector_load %arg5[%get3A_65] {strides = array<i32>} : memref<1024xi32, #tpu.memory_space<vmem>>, vector<16xi32>,
      tpu.vector_store_idx %arg6[%get3A_66], %broadcast_in_dim3A_13 {add = true} : memref<32xf32, #tpu.memory_space<vmem>>[vector<16xi32>], vector<16xf32>,
      %get3A_67 = arith.constant 432 : index
      %get3A_68 = tpu.vector_load %arg5[%get3A_67] {strides = array<i32>} : memref<1024xi32, #tpu.memory_space<vmem>>, vector<16xi32>,
      tpu.vector_store_idx %arg6[%get3A_68], %broadcast_in_dim3A_13 {add = true} : memref<32xf32, #tpu.memory_space<vmem>>[vector<16xi32>], vector<16xf32>,
      %get3A_69 = arith.constant 448 : index
      %get3A_70 = tpu.vector_load %arg5[%get3A_69] {strides = array<i32>} : memref<1024xi32, #tpu.memory_space<vmem>>, vector<16xi32>,
      tpu.vector_store_idx %arg6[%get3A_70], %broadcast_in_dim3A_13 {add = true} : memref<32xf32, #tpu.memory_space<vmem>>[vector<16xi32>], vector<16xf32>,
      %get3A_71 = arith.constant 464 : index
      %get3A_72 = tpu.vector_load %arg5[%get3A_71] {strides = array<i32>} : memref<1024xi32, #tpu.memory_space<vmem>>, vector<16xi32>,
      tpu.vector_store_idx %arg6[%get3A_72], %broadcast_in_dim3A_13 {add = true} : memref<32xf32, #tpu.memory_space<vmem>>[vector<16xi32>], vector<16xf32>,
      %get3A_73 = arith.constant 480 : index
      %get3A_74 = tpu.vector_load %arg5[%get3A_73] {strides = array<i32>} : memref<1024xi32, #tpu.memory_space<vmem>>, vector<16xi32>,
      tpu.vector_store_idx %arg6[%get3A_74], %broadcast_in_dim3A_13 {add = true} : memref<32xf32, #tpu.memory_space<vmem>>[vector<16xi32>], vector<16xf32>,
      %get3A_75 = arith.constant 496 : index
      %get3A_76 = tpu.vector_load %arg5[%get3A_75] {strides = array<i32>} : memref<1024xi32, #tpu.memory_space<vmem>>, vector<16xi32>,
      tpu.vector_store_idx %arg6[%get3A_76], %broadcast_in_dim3A_13 {add = true} : memref<32xf32, #tpu.memory_space<vmem>>[vector<16xi32>], vector<16xf32>,
      %get3A_77 = arith.constant 512 : index
      %get3A_78 = tpu.vector_load %arg5[%get3A_77] {strides = array<i32>} : memref<1024xi32, #tpu.memory_space<vmem>>, vector<16xi32>,
      tpu.vector_store_idx %arg6[%get3A_78], %broadcast_in_dim3A_13 {add = true} : memref<32xf32, #tpu.memory_space<vmem>>[vector<16xi32>], vector<16xf32>,
      %get3A_79 = arith.constant 528 : index
      %get3A_80 = tpu.vector_load %arg5[%get3A_79] {strides = array<i32>} : memref<1024xi32, #tpu.memory_space<vmem>>, vector<16xi32>,
      tpu.vector_store_idx %arg6[%get3A_80], %broadcast_in_dim3A_13 {add = true} : memref<32xf32, #tpu.memory_space<vmem>>[vector<16xi32>], vector<16xf32>,
      %get3A_81 = arith.constant 544 : index
      %get3A_82 = tpu.vector_load %arg5[%get3A_81] {strides = array<i32>} : memref<1024xi32, #tpu.memory_space<vmem>>, vector<16xi32>,
      tpu.vector_store_idx %arg6[%get3A_82], %broadcast_in_dim3A_13 {add = true} : memref<32xf32, #tpu.memory_space<vmem>>[vector<16xi32>], vector<16xf32>,
      %get3A_83 = arith.constant 560 : index
      %get3A_84 = tpu.vector_load %arg5[%get3A_83] {strides = array<i32>} : memref<1024xi32, #tpu.memory_space<vmem>>, vector<16xi32>,
      tpu.vector_store_idx %arg6[%get3A_84], %broadcast_in_dim3A_13 {add = true} : memref<32xf32, #tpu.memory_space<vmem>>[vector<16xi32>], vector<16xf32>,
      %get3A_85 = arith.constant 576 : index
      %get3A_86 = tpu.vector_load %arg5[%get3A_85] {strides = array<i32>} : memref<1024xi32, #tpu.memory_space<vmem>>, vector<16xi32>,
      tpu.vector_store_idx %arg6[%get3A_86], %broadcast_in_dim3A_13 {add = true} : memref<32xf32, #tpu.memory_space<vmem>>[vector<16xi32>], vector<16xf32>,
      %get3A_87 = arith.constant 592 : index
      %get3A_88 = tpu.vector_load %arg5[%get3A_87] {strides = array<i32>} : memref<1024xi32, #tpu.memory_space<vmem>>, vector<16xi32>,
      tpu.vector_store_idx %arg6[%get3A_88], %broadcast_in_dim3A_13 {add = true} : memref<32xf32, #tpu.memory_space<vmem>>[vector<16xi32>], vector<16xf32>,
      %get3A_89 = arith.constant 608 : index
      %get3A_90 = tpu.vector_load %arg5[%get3A_89] {strides = array<i32>} : memref<1024xi32, #tpu.memory_space<vmem>>, vector<16xi32>,
      tpu.vector_store_idx %arg6[%get3A_90], %broadcast_in_dim3A_13 {add = true} : memref<32xf32, #tpu.memory_space<vmem>>[vector<16xi32>], vector<16xf32>,
      %get3A_91 = arith.constant 624 : index
      %get3A_92 = tpu.vector_load %arg5[%get3A_91] {strides = array<i32>} : memref<1024xi32, #tpu.memory_space<vmem>>, vector<16xi32>,
      tpu.vector_store_idx %arg6[%get3A_92], %broadcast_in_dim3A_13 {add = true} : memref<32xf32, #tpu.memory_space<vmem>>[vector<16xi32>], vector<16xf32>,
      %get3A_93 = arith.constant 640 : index
      %get3A_94 = tpu.vector_load %arg5[%get3A_93] {strides = array<i32>} : memref<1024xi32, #tpu.memory_space<vmem>>, vector<16xi32>,
      tpu.vector_store_idx %arg6[%get3A_94], %broadcast_in_dim3A_13 {add = true} : memref<32xf32, #tpu.memory_space<vmem>>[vector<16xi32>], vector<16xf32>,
      %get3A_95 = arith.constant 656 : index
      %get3A_96 = tpu.vector_load %arg5[%get3A_95] {strides = array<i32>} : memref<1024xi32, #tpu.memory_space<vmem>>, vector<16xi32>,
      tpu.vector_store_idx %arg6[%get3A_96], %broadcast_in_dim3A_13 {add = true} : memref<32xf32, #tpu.memory_space<vmem>>[vector<16xi32>], vector<16xf32>,
      %get3A_97 = arith.constant 672 : index
      %get3A_98 = tpu.vector_load %arg5[%get3A_97] {strides = array<i32>} : memref<1024xi32, #tpu.memory_space<vmem>>, vector<16xi32>,
      tpu.vector_store_idx %arg6[%get3A_98], %broadcast_in_dim3A_13 {add = true} : memref<32xf32, #tpu.memory_space<vmem>>[vector<16xi32>], vector<16xf32>,
      %get3A_99 = arith.constant 688 : index
      %get3A_100 = tpu.vector_load %arg5[%get3A_99] {strides = array<i32>} : memref<1024xi32, #tpu.memory_space<vmem>>, vector<16xi32>,
      tpu.vector_store_idx %arg6[%get3A_100], %broadcast_in_dim3A_13 {add = true} : memref<32xf32, #tpu.memory_space<vmem>>[vector<16xi32>], vector<16xf32>,
      %get3A_101 = arith.constant 704 : index
      %get3A_102 = tpu.vector_load %arg5[%get3A_101] {strides = array<i32>} : memref<1024xi32, #tpu.memory_space<vmem>>, vector<16xi32>,
      tpu.vector_store_idx %arg6[%get3A_102], %broadcast_in_dim3A_13 {add = true} : memref<32xf32, #tpu.memory_space<vmem>>[vector<16xi32>], vector<16xf32>,
      %get3A_103 = arith.constant 720 : index
      %get3A_104 = tpu.vector_load %arg5[%get3A_103] {strides = array<i32>} : memref<1024xi32, #tpu.memory_space<vmem>>, vector<16xi32>,
      tpu.vector_store_idx %arg6[%get3A_104], %broadcast_in_dim3A_13 {add = true} : memref<32xf32, #tpu.memory_space<vmem>>[vector<16xi32>], vector<16xf32>,
      %get3A_105 = arith.constant 736 : index
      %get3A_106 = tpu.vector_load %arg5[%get3A_105] {strides = array<i32>} : memref<1024xi32, #tpu.memory_space<vmem>>, vector<16xi32>,
      tpu.vector_store_idx %arg6[%get3A_106], %broadcast_in_dim3A_13 {add = true} : memref<32xf32, #tpu.memory_space<vmem>>[vector<16xi32>], vector<16xf32>,
      %get3A_107 = arith.constant 752 : index
      %get3A_108 = tpu.vector_load %arg5[%get3A_107] {strides = array<i32>} : memref<1024xi32, #tpu.memory_space<vmem>>, vector<16xi32>,
      tpu.vector_store_idx %arg6[%get3A_108], %broadcast_in_dim3A_13 {add = true} : memref<32xf32, #tpu.memory_space<vmem>>[vector<16xi32>], vector<16xf32>,
      %get3A_109 = arith.constant 768 : index
      %get3A_110 = tpu.vector_load %arg5[%get3A_109] {strides = array<i32>} : memref<1024xi32, #tpu.memory_space<vmem>>, vector<16xi32>,
      tpu.vector_store_idx %arg6[%get3A_110], %broadcast_in_dim3A_13 {add = true} : memref<32xf32, #tpu.memory_space<vmem>>[vector<16xi32>], vector<16xf32>,
      %get3A_111 = arith.constant 784 : index
      %get3A_112 = tpu.vector_load %arg5[%get3A_111] {strides = array<i32>} : memref<1024xi32, #tpu.memory_space<vmem>>, vector<16xi32>,
      tpu.vector_store_idx %arg6[%get3A_112], %broadcast_in_dim3A_13 {add = true} : memref<32xf32, #tpu.memory_space<vmem>>[vector<16xi32>], vector<16xf32>,
      %get3A_113 = arith.constant 800 : index
      %get3A_114 = tpu.vector_load %arg5[%get3A_113] {strides = array<i32>} : memref<1024xi32, #tpu.memory_space<vmem>>, vector<16xi32>,
      tpu.vector_store_idx %arg6[%get3A_114], %broadcast_in_dim3A_13 {add = true} : memref<32xf32, #tpu.memory_space<vmem>>[vector<16xi32>], vector<16xf32>,
      %get3A_115 = arith.constant 816 : index
      %get3A_116 = tpu.vector_load %arg5[%get3A_115] {strides = array<i32>} : memref<1024xi32, #tpu.memory_space<vmem>>, vector<16xi32>,
      tpu.vector_store_idx %arg6[%get3A_116], %broadcast_in_dim3A_13 {add = true} : memref<32xf32, #tpu.memory_space<vmem>>[vector<16xi32>], vector<16xf32>,
      %get3A_117 = arith.constant 832 : index
      %get3A_118 = tpu.vector_load %arg5[%get3A_117] {strides = array<i32>} : memref<1024xi32, #tpu.memory_space<vmem>>, vector<16xi32>,
      tpu.vector_store_idx %arg6[%get3A_118], %broadcast_in_dim3A_13 {add = true} : memref<32xf32, #tpu.memory_space<vmem>>[vector<16xi32>], vector<16xf32>,
      %get3A_119 = arith.constant 848 : index
      %get3A_120 = tpu.vector_load %arg5[%get3A_119] {strides = array<i32>} : memref<1024xi32, #tpu.memory_space<vmem>>, vector<16xi32>,
      tpu.vector_store_idx %arg6[%get3A_120], %broadcast_in_dim3A_13 {add = true} : memref<32xf32, #tpu.memory_space<vmem>>[vector<16xi32>], vector<16xf32>,
      %get3A_121 = arith.constant 864 : index
      %get3A_122 = tpu.vector_load %arg5[%get3A_121] {strides = array<i32>} : memref<1024xi32, #tpu.memory_space<vmem>>, vector<16xi32>,
      tpu.vector_store_idx %arg6[%get3A_122], %broadcast_in_dim3A_13 {add = true} : memref<32xf32, #tpu.memory_space<vmem>>[vector<16xi32>], vector<16xf32>,
      %get3A_123 = arith.constant 880 : index
      %get3A_124 = tpu.vector_load %arg5[%get3A_123] {strides = array<i32>} : memref<1024xi32, #tpu.memory_space<vmem>>, vector<16xi32>,
      tpu.vector_store_idx %arg6[%get3A_124], %broadcast_in_dim3A_13 {add = true} : memref<32xf32, #tpu.memory_space<vmem>>[vector<16xi32>], vector<16xf32>,
      %get3A_125 = arith.constant 896 : index
      %get3A_126 = tpu.vector_load %arg5[%get3A_125] {strides = array<i32>} : memref<1024xi32, #tpu.memory_space<vmem>>, vector<16xi32>,
      tpu.vector_store_idx %arg6[%get3A_126], %broadcast_in_dim3A_13 {add = true} : memref<32xf32, #tpu.memory_space<vmem>>[vector<16xi32>], vector<16xf32>,
      %get3A_127 = arith.constant 912 : index
      %get3A_128 = tpu.vector_load %arg5[%get3A_127] {strides = array<i32>} : memref<1024xi32, #tpu.memory_space<vmem>>, vector<16xi32>,
      tpu.vector_store_idx %arg6[%get3A_128], %broadcast_in_dim3A_13 {add = true} : memref<32xf32, #tpu.memory_space<vmem>>[vector<16xi32>], vector<16xf32>,
      %get3A_129 = arith.constant 928 : index
      %get3A_130 = tpu.vector_load %arg5[%get3A_129] {strides = array<i32>} : memref<1024xi32, #tpu.memory_space<vmem>>, vector<16xi32>,
      tpu.vector_store_idx %arg6[%get3A_130], %broadcast_in_dim3A_13 {add = true} : memref<32xf32, #tpu.memory_space<vmem>>[vector<16xi32>], vector<16xf32>,
      %get3A_131 = arith.constant 944 : index
      %get3A_132 = tpu.vector_load %arg5[%get3A_131] {strides = array<i32>} : memref<1024xi32, #tpu.memory_space<vmem>>, vector<16xi32>,
      tpu.vector_store_idx %arg6[%get3A_132], %broadcast_in_dim3A_13 {add = true} : memref<32xf32, #tpu.memory_space<vmem>>[vector<16xi32>], vector<16xf32>,
      %get3A_133 = arith.constant 960 : index
      %get3A_134 = tpu.vector_load %arg5[%get3A_133] {strides = array<i32>} : memref<1024xi32, #tpu.memory_space<vmem>>, vector<16xi32>,
      tpu.vector_store_idx %arg6[%get3A_134], %broadcast_in_dim3A_13 {add = true} : memref<32xf32, #tpu.memory_space<vmem>>[vector<16xi32>], vector<16xf32>,
      %get3A_135 = arith.constant 976 : index
      %get3A_136 = tpu.vector_load %arg5[%get3A_135] {strides = array<i32>} : memref<1024xi32, #tpu.memory_space<vmem>>, vector<16xi32>,
      tpu.vector_store_idx %arg6[%get3A_136], %broadcast_in_dim3A_13 {add = true} : memref<32xf32, #tpu.memory_space<vmem>>[vector<16xi32>], vector<16xf32>,
      %get3A_137 = arith.constant 992 : index
      %get3A_138 = tpu.vector_load %arg5[%get3A_137] {strides = array<i32>} : memref<1024xi32, #tpu.memory_space<vmem>>, vector<16xi32>,
      tpu.vector_store_idx %arg6[%get3A_138], %broadcast_in_dim3A_13 {add = true} : memref<32xf32, #tpu.memory_space<vmem>>[vector<16xi32>], vector<16xf32>,
      %get3A_139 = arith.constant 1008 : index
      %get3A_140 = tpu.vector_load %arg5[%get3A_139] {strides = array<i32>} : memref<1024xi32, #tpu.memory_space<vmem>>, vector<16xi32>,
      tpu.vector_store_idx %arg6[%get3A_140], %broadcast_in_dim3A_13 {add = true} : memref<32xf32, #tpu.memory_space<vmem>>[vector<16xi32>], vector<16xf32>,
      "tpu.region"() ({
        %run_scoped3A = tpu.sem_alloc : memref<!tpu.dma_semaphore, #tpu.memory_space<semaphore_mem>>
        %dma_start3A = arith.constant 0 : i32
        %dma_start3A_141 = tpu.memref_slice %arg10[%arg1, %dma_start3A] : memref<16x32xf32, #tpu.memory_space<hbm>> -> memref<1x32xf32, #tpu.memory_space<hbm>>
        %dma_start3A_142 = tpu.memref_squeeze %dma_start3A_141 : memref<1x32xf32, #tpu.memory_space<hbm>> -> memref<32xf32, #tpu.memory_space<hbm>>
        %dma_start3A_143 = arith.constant 0 : i32
        %dma_start3A_144 = tpu.memref_slice %arg10[%arg1, %dma_start3A_143] : memref<16x32xf32, #tpu.memory_space<hbm>> -> memref<1x32xf32, #tpu.memory_space<hbm>>
        %dma_start3A_145 = tpu.memref_squeeze %dma_start3A_144 : memref<1x32xf32, #tpu.memory_space<hbm>> -> memref<32xf32, #tpu.memory_space<hbm>>
        tpu.enqueue_dma source(%arg6 : memref<32xf32, #tpu.memory_space<vmem>>) target(%dma_start3A_145 : memref<32xf32, #tpu.memory_space<hbm>>) target_semaphore(%run_scoped3A : memref<!tpu.dma_semaphore, #tpu.memory_space<semaphore_mem>>)
        %dma_wait3A = arith.constant 0 : i32
        %dma_wait3A_146 = tpu.memref_slice %arg10[%arg1, %dma_wait3A] : memref<16x32xf32, #tpu.memory_space<hbm>> -> memref<1x32xf32, #tpu.memory_space<hbm>>
        %dma_wait3A_147 = tpu.memref_squeeze %dma_wait3A_146 : memref<1x32xf32, #tpu.memory_space<hbm>> -> memref<32xf32, #tpu.memory_space<hbm>>
        %dma_wait3A_148 = arith.constant 0 : i32
        %dma_wait3A_149 = tpu.memref_slice %arg10[%arg1, %dma_wait3A_148] : memref<16x32xf32, #tpu.memory_space<hbm>> -> memref<1x32xf32, #tpu.memory_space<hbm>>
        %dma_wait3A_150 = tpu.memref_squeeze %dma_wait3A_149 : memref<1x32xf32, #tpu.memory_space<hbm>> -> memref<32xf32, #tpu.memory_space<hbm>>
        tpu.wait_dma2 semaphore(%run_scoped3A : memref<!tpu.dma_semaphore, #tpu.memory_space<semaphore_mem>>) src(%arg6 : memref<32xf32, #tpu.memory_space<vmem>>) dst(%dma_wait3A_150 : memref<32xf32, #tpu.memory_space<hbm>>)
        tpu.yield
      }) : () -> ()
    } else {
    }
    %barrier3A = arith.constant 0 : index
    tpu.barrier barrier_id(%barrier3A)
    %eq3A_2 = arith.constant 0 : i32
    %eq3A_3 = arith.cmpi eq, %arg1, %eq3A_2 : i32
    %and3A = arith.andi %eq3A_0, %eq3A_3 : i1
    %convert_element_type3A_4 = arith.extui %and3A : i1 to i32
    %cond3A_5 = arith.constant 0 : i32
    %cond3A_6 = arith.cmpi ne, %convert_element_type3A_4, %cond3A_5 : i32
    scf.if %cond3A_6 {
      "tpu.region"() ({
        %run_scoped3A = tpu.sem_alloc : memref<!tpu.dma_semaphore, #tpu.memory_space<semaphore_mem>>
        tpu.enqueue_dma source(%arg10 : memref<16x32xf32, #tpu.memory_space<hbm>>) target(%arg8 : memref<16x32xf32, #tpu.memory_space<vmem>>) target_semaphore(%run_scoped3A : memref<!tpu.dma_semaphore, #tpu.memory_space<semaphore_mem>>)
        tpu.wait_dma2 semaphore(%run_scoped3A : memref<!tpu.dma_semaphore, #tpu.memory_space<semaphore_mem>>) src(%arg10 : memref<16x32xf32, #tpu.memory_space<hbm>>) dst(%arg8 : memref<16x32xf32, #tpu.memory_space<vmem>>)
        tpu.yield
      }) : () -> ()
      "tpu.region"() ({
        %run_scoped3A = tpu.sem_alloc : memref<!tpu.dma_semaphore, #tpu.memory_space<semaphore_mem>>
        tpu.enqueue_dma source(%arg3 : memref<32x128xf32, #tpu.memory_space<hbm>>) target(%arg7 : memref<32x128xf32, #tpu.memory_space<vmem>>) target_semaphore(%run_scoped3A : memref<!tpu.dma_semaphore, #tpu.memory_space<semaphore_mem>>)
        tpu.wait_dma2 semaphore(%run_scoped3A : memref<!tpu.dma_semaphore, #tpu.memory_space<semaphore_mem>>) src(%arg3 : memref<32x128xf32, #tpu.memory_space<hbm>>) dst(%arg7 : memref<32x128xf32, #tpu.memory_space<vmem>>)
        tpu.yield
      }) : () -> ()
      %iota3A = tpu.iota {dimensions = array<i32: 0>} : vector<16xi32>
      %broadcast_in_dim3A = arith.constant 0.000000e+00 : f32
      %broadcast_in_dim3A_7 = vector.broadcast %broadcast_in_dim3A : f32 to vector<16xf32>
      %broadcast_in_dim3A_8 = arith.constant 0.000000e+00 : f32
      %broadcast_in_dim3A_9 = vector.broadcast %broadcast_in_dim3A_8 : f32 to vector<16xf32>
      %get3A = arith.constant 0 : i32
      %get3A_10 = arith.index_cast %get3A : i32 to index
      %get3A_11 = arith.constant 0 : index
      %get3A_12 = tpu.vector_load %arg8[%get3A_10, %get3A_11] {strides = array<i32>} : memref<16x32xf32, #tpu.memory_space<vmem>>, vector<16xf32>,
      %add3A = arith.addf %broadcast_in_dim3A_9, %get3A_12 : vector<16xf32>
      %get3A_13 = arith.constant 1 : i32
      %get3A_14 = arith.index_cast %get3A_13 : i32 to index
      %get3A_15 = arith.constant 0 : index
      %get3A_16 = tpu.vector_load %arg8[%get3A_14, %get3A_15] {strides = array<i32>} : memref<16x32xf32, #tpu.memory_space<vmem>>, vector<16xf32>,
      %add3A_17 = arith.addf %add3A, %get3A_16 : vector<16xf32>
      %get3A_18 = arith.constant 2 : i32
      %get3A_19 = arith.index_cast %get3A_18 : i32 to index
      %get3A_20 = arith.constant 0 : index
      %get3A_21 = tpu.vector_load %arg8[%get3A_19, %get3A_20] {strides = array<i32>} : memref<16x32xf32, #tpu.memory_space<vmem>>, vector<16xf32>,
      %add3A_22 = arith.addf %add3A_17, %get3A_21 : vector<16xf32>
      %get3A_23 = arith.constant 3 : i32
      %get3A_24 = arith.index_cast %get3A_23 : i32 to index
      %get3A_25 = arith.constant 0 : index
      %get3A_26 = tpu.vector_load %arg8[%get3A_24, %get3A_25] {strides = array<i32>} : memref<16x32xf32, #tpu.memory_space<vmem>>, vector<16xf32>,
      %add3A_27 = arith.addf %add3A_22, %get3A_26 : vector<16xf32>
      %add3A_28 = arith.constant 0 : i32
      %add3A_29 = vector.broadcast %add3A_28 : i32 to vector<16xi32>
      %add3A_30 = arith.addi %iota3A, %add3A_29 : vector<16xi32>
      %broadcast_in_dim3A_31 = arith.constant 0 : i32
      %broadcast_in_dim3A_32 = vector.broadcast %broadcast_in_dim3A_31 : i32 to vector<16xi32>
      %gather3A = tpu.vector_load_idx %arg7[%add3A_30, %broadcast_in_dim3A_32] : memref<32x128xf32, #tpu.memory_space<vmem>>[vector<16xi32>, vector<16xi32>], vector<16xf32>,
      %mul3A = arith.mulf %add3A_27, %gather3A : vector<16xf32>
      %add3A_33 = arith.addf %broadcast_in_dim3A_7, %mul3A : vector<16xf32>
      %broadcast_in_dim3A_34 = arith.constant 0.000000e+00 : f32
      %broadcast_in_dim3A_35 = vector.broadcast %broadcast_in_dim3A_34 : f32 to vector<16xf32>
      %get3A_36 = arith.constant 0 : i32
      %get3A_37 = arith.index_cast %get3A_36 : i32 to index
      %get3A_38 = arith.constant 16 : index
      %get3A_39 = tpu.vector_load %arg8[%get3A_37, %get3A_38] {strides = array<i32>} : memref<16x32xf32, #tpu.memory_space<vmem>>, vector<16xf32>,
      %add3A_40 = arith.addf %broadcast_in_dim3A_35, %get3A_39 : vector<16xf32>
      %get3A_41 = arith.constant 1 : i32
      %get3A_42 = arith.index_cast %get3A_41 : i32 to index
      %get3A_43 = arith.constant 16 : index
      %get3A_44 = tpu.vector_load %arg8[%get3A_42, %get3A_43] {strides = array<i32>} : memref<16x32xf32, #tpu.memory_space<vmem>>, vector<16xf32>,
      %add3A_45 = arith.addf %add3A_40, %get3A_44 : vector<16xf32>
      %get3A_46 = arith.constant 2 : i32
      %get3A_47 = arith.index_cast %get3A_46 : i32 to index
      %get3A_48 = arith.constant 16 : index
      %get3A_49 = tpu.vector_load %arg8[%get3A_47, %get3A_48] {strides = array<i32>} : memref<16x32xf32, #tpu.memory_space<vmem>>, vector<16xf32>,
      %add3A_50 = arith.addf %add3A_45, %get3A_49 : vector<16xf32>
      %get3A_51 = arith.constant 3 : i32
      %get3A_52 = arith.index_cast %get3A_51 : i32 to index
      %get3A_53 = arith.constant 16 : index
      %get3A_54 = tpu.vector_load %arg8[%get3A_52, %get3A_53] {strides = array<i32>} : memref<16x32xf32, #tpu.memory_space<vmem>>, vector<16xf32>,
      %add3A_55 = arith.addf %add3A_50, %get3A_54 : vector<16xf32>
      %add3A_56 = arith.constant 16 : i32
      %add3A_57 = vector.broadcast %add3A_56 : i32 to vector<16xi32>
      %add3A_58 = arith.addi %iota3A, %add3A_57 : vector<16xi32>
      %broadcast_in_dim3A_59 = arith.constant 0 : i32
      %broadcast_in_dim3A_60 = vector.broadcast %broadcast_in_dim3A_59 : i32 to vector<16xi32>
      %gather3A_61 = tpu.vector_load_idx %arg7[%add3A_58, %broadcast_in_dim3A_60] : memref<32x128xf32, #tpu.memory_space<vmem>>[vector<16xi32>, vector<16xi32>], vector<16xf32>,
      %mul3A_62 = arith.mulf %add3A_55, %gather3A_61 : vector<16xf32>
      %add3A_63 = arith.addf %add3A_33, %mul3A_62 : vector<16xf32>
      %broadcast_in_dim3A_64 = arith.constant 0.000000e+00 : f32
      %broadcast_in_dim3A_65 = vector.broadcast %broadcast_in_dim3A_64 : f32 to vector<16xf32>
      %get3A_66 = arith.constant 4 : i32
      %get3A_67 = arith.index_cast %get3A_66 : i32 to index
      %get3A_68 = arith.constant 0 : index
      %get3A_69 = tpu.vector_load %arg8[%get3A_67, %get3A_68] {strides = array<i32>} : memref<16x32xf32, #tpu.memory_space<vmem>>, vector<16xf32>,
      %add3A_70 = arith.addf %broadcast_in_dim3A_65, %get3A_69 : vector<16xf32>
      %get3A_71 = arith.constant 5 : i32
      %get3A_72 = arith.index_cast %get3A_71 : i32 to index
      %get3A_73 = arith.constant 0 : index
      %get3A_74 = tpu.vector_load %arg8[%get3A_72, %get3A_73] {strides = array<i32>} : memref<16x32xf32, #tpu.memory_space<vmem>>, vector<16xf32>,
      %add3A_75 = arith.addf %add3A_70, %get3A_74 : vector<16xf32>
      %get3A_76 = arith.constant 6 : i32
      %get3A_77 = arith.index_cast %get3A_76 : i32 to index
      %get3A_78 = arith.constant 0 : index
      %get3A_79 = tpu.vector_load %arg8[%get3A_77, %get3A_78] {strides = array<i32>} : memref<16x32xf32, #tpu.memory_space<vmem>>, vector<16xf32>,
      %add3A_80 = arith.addf %add3A_75, %get3A_79 : vector<16xf32>
      %get3A_81 = arith.constant 7 : i32
      %get3A_82 = arith.index_cast %get3A_81 : i32 to index
      %get3A_83 = arith.constant 0 : index
      %get3A_84 = tpu.vector_load %arg8[%get3A_82, %get3A_83] {strides = array<i32>} : memref<16x32xf32, #tpu.memory_space<vmem>>, vector<16xf32>,
      %add3A_85 = arith.addf %add3A_80, %get3A_84 : vector<16xf32>
      %add3A_86 = arith.constant 0 : i32
      %add3A_87 = vector.broadcast %add3A_86 : i32 to vector<16xi32>
      %add3A_88 = arith.addi %iota3A, %add3A_87 : vector<16xi32>
      %broadcast_in_dim3A_89 = arith.constant 1 : i32
      %broadcast_in_dim3A_90 = vector.broadcast %broadcast_in_dim3A_89 : i32 to vector<16xi32>
      %gather3A_91 = tpu.vector_load_idx %arg7[%add3A_88, %broadcast_in_dim3A_90] : memref<32x128xf32, #tpu.memory_space<vmem>>[vector<16xi32>, vector<16xi32>], vector<16xf32>,
      %mul3A_92 = arith.mulf %add3A_85, %gather3A_91 : vector<16xf32>
      %add3A_93 = arith.addf %add3A_63, %mul3A_92 : vector<16xf32>
      %broadcast_in_dim3A_94 = arith.constant 0.000000e+00 : f32
      %broadcast_in_dim3A_95 = vector.broadcast %broadcast_in_dim3A_94 : f32 to vector<16xf32>
      %get3A_96 = arith.constant 4 : i32
      %get3A_97 = arith.index_cast %get3A_96 : i32 to index
      %get3A_98 = arith.constant 16 : index
      %get3A_99 = tpu.vector_load %arg8[%get3A_97, %get3A_98] {strides = array<i32>} : memref<16x32xf32, #tpu.memory_space<vmem>>, vector<16xf32>,
      %add3A_100 = arith.addf %broadcast_in_dim3A_95, %get3A_99 : vector<16xf32>
      %get3A_101 = arith.constant 5 : i32
      %get3A_102 = arith.index_cast %get3A_101 : i32 to index
      %get3A_103 = arith.constant 16 : index
      %get3A_104 = tpu.vector_load %arg8[%get3A_102, %get3A_103] {strides = array<i32>} : memref<16x32xf32, #tpu.memory_space<vmem>>, vector<16xf32>,
      %add3A_105 = arith.addf %add3A_100, %get3A_104 : vector<16xf32>
      %get3A_106 = arith.constant 6 : i32
      %get3A_107 = arith.index_cast %get3A_106 : i32 to index
      %get3A_108 = arith.constant 16 : index
      %get3A_109 = tpu.vector_load %arg8[%get3A_107, %get3A_108] {strides = array<i32>} : memref<16x32xf32, #tpu.memory_space<vmem>>, vector<16xf32>,
      %add3A_110 = arith.addf %add3A_105, %get3A_109 : vector<16xf32>
      %get3A_111 = arith.constant 7 : i32
      %get3A_112 = arith.index_cast %get3A_111 : i32 to index
      %get3A_113 = arith.constant 16 : index
      %get3A_114 = tpu.vector_load %arg8[%get3A_112, %get3A_113] {strides = array<i32>} : memref<16x32xf32, #tpu.memory_space<vmem>>, vector<16xf32>,
      %add3A_115 = arith.addf %add3A_110, %get3A_114 : vector<16xf32>
      %add3A_116 = arith.constant 16 : i32
      %add3A_117 = vector.broadcast %add3A_116 : i32 to vector<16xi32>
      %add3A_118 = arith.addi %iota3A, %add3A_117 : vector<16xi32>
      %broadcast_in_dim3A_119 = arith.constant 1 : i32
      %broadcast_in_dim3A_120 = vector.broadcast %broadcast_in_dim3A_119 : i32 to vector<16xi32>
      %gather3A_121 = tpu.vector_load_idx %arg7[%add3A_118, %broadcast_in_dim3A_120] : memref<32x128xf32, #tpu.memory_space<vmem>>[vector<16xi32>, vector<16xi32>], vector<16xf32>,
      %mul3A_122 = arith.mulf %add3A_115, %gather3A_121 : vector<16xf32>
      %add3A_123 = arith.addf %add3A_93, %mul3A_122 : vector<16xf32>
      %broadcast_in_dim3A_124 = arith.constant 0.000000e+00 : f32
      %broadcast_in_dim3A_125 = vector.broadcast %broadcast_in_dim3A_124 : f32 to vector<16xf32>
      %get3A_126 = arith.constant 8 : i32
      %get3A_127 = arith.index_cast %get3A_126 : i32 to index
      %get3A_128 = arith.constant 0 : index
      %get3A_129 = tpu.vector_load %arg8[%get3A_127, %get3A_128] {strides = array<i32>} : memref<16x32xf32, #tpu.memory_space<vmem>>, vector<16xf32>,
      %add3A_130 = arith.addf %broadcast_in_dim3A_125, %get3A_129 : vector<16xf32>
      %get3A_131 = arith.constant 9 : i32
      %get3A_132 = arith.index_cast %get3A_131 : i32 to index
      %get3A_133 = arith.constant 0 : index
      %get3A_134 = tpu.vector_load %arg8[%get3A_132, %get3A_133] {strides = array<i32>} : memref<16x32xf32, #tpu.memory_space<vmem>>, vector<16xf32>,
      %add3A_135 = arith.addf %add3A_130, %get3A_134 : vector<16xf32>
      %get3A_136 = arith.constant 10 : i32
      %get3A_137 = arith.index_cast %get3A_136 : i32 to index
      %get3A_138 = arith.constant 0 : index
      %get3A_139 = tpu.vector_load %arg8[%get3A_137, %get3A_138] {strides = array<i32>} : memref<16x32xf32, #tpu.memory_space<vmem>>, vector<16xf32>,
      %add3A_140 = arith.addf %add3A_135, %get3A_139 : vector<16xf32>
      %get3A_141 = arith.constant 11 : i32
      %get3A_142 = arith.index_cast %get3A_141 : i32 to index
      %get3A_143 = arith.constant 0 : index
      %get3A_144 = tpu.vector_load %arg8[%get3A_142, %get3A_143] {strides = array<i32>} : memref<16x32xf32, #tpu.memory_space<vmem>>, vector<16xf32>,
      %add3A_145 = arith.addf %add3A_140, %get3A_144 : vector<16xf32>
      %add3A_146 = arith.constant 0 : i32
      %add3A_147 = vector.broadcast %add3A_146 : i32 to vector<16xi32>
      %add3A_148 = arith.addi %iota3A, %add3A_147 : vector<16xi32>
      %broadcast_in_dim3A_149 = arith.constant 2 : i32
      %broadcast_in_dim3A_150 = vector.broadcast %broadcast_in_dim3A_149 : i32 to vector<16xi32>
      %gather3A_151 = tpu.vector_load_idx %arg7[%add3A_148, %broadcast_in_dim3A_150] : memref<32x128xf32, #tpu.memory_space<vmem>>[vector<16xi32>, vector<16xi32>], vector<16xf32>,
      %mul3A_152 = arith.mulf %add3A_145, %gather3A_151 : vector<16xf32>
      %add3A_153 = arith.addf %add3A_123, %mul3A_152 : vector<16xf32>
      %broadcast_in_dim3A_154 = arith.constant 0.000000e+00 : f32
      %broadcast_in_dim3A_155 = vector.broadcast %broadcast_in_dim3A_154 : f32 to vector<16xf32>
      %get3A_156 = arith.constant 8 : i32
      %get3A_157 = arith.index_cast %get3A_156 : i32 to index
      %get3A_158 = arith.constant 16 : index
      %get3A_159 = tpu.vector_load %arg8[%get3A_157, %get3A_158] {strides = array<i32>} : memref<16x32xf32, #tpu.memory_space<vmem>>, vector<16xf32>,
      %add3A_160 = arith.addf %broadcast_in_dim3A_155, %get3A_159 : vector<16xf32>
      %get3A_161 = arith.constant 9 : i32
      %get3A_162 = arith.index_cast %get3A_161 : i32 to index
      %get3A_163 = arith.constant 16 : index
      %get3A_164 = tpu.vector_load %arg8[%get3A_162, %get3A_163] {strides = array<i32>} : memref<16x32xf32, #tpu.memory_space<vmem>>, vector<16xf32>,
      %add3A_165 = arith.addf %add3A_160, %get3A_164 : vector<16xf32>
      %get3A_166 = arith.constant 10 : i32
      %get3A_167 = arith.index_cast %get3A_166 : i32 to index
      %get3A_168 = arith.constant 16 : index
      %get3A_169 = tpu.vector_load %arg8[%get3A_167, %get3A_168] {strides = array<i32>} : memref<16x32xf32, #tpu.memory_space<vmem>>, vector<16xf32>,
      %add3A_170 = arith.addf %add3A_165, %get3A_169 : vector<16xf32>
      %get3A_171 = arith.constant 11 : i32
      %get3A_172 = arith.index_cast %get3A_171 : i32 to index
      %get3A_173 = arith.constant 16 : index
      %get3A_174 = tpu.vector_load %arg8[%get3A_172, %get3A_173] {strides = array<i32>} : memref<16x32xf32, #tpu.memory_space<vmem>>, vector<16xf32>,
      %add3A_175 = arith.addf %add3A_170, %get3A_174 : vector<16xf32>
      %add3A_176 = arith.constant 16 : i32
      %add3A_177 = vector.broadcast %add3A_176 : i32 to vector<16xi32>
      %add3A_178 = arith.addi %iota3A, %add3A_177 : vector<16xi32>
      %broadcast_in_dim3A_179 = arith.constant 2 : i32
      %broadcast_in_dim3A_180 = vector.broadcast %broadcast_in_dim3A_179 : i32 to vector<16xi32>
      %gather3A_181 = tpu.vector_load_idx %arg7[%add3A_178, %broadcast_in_dim3A_180] : memref<32x128xf32, #tpu.memory_space<vmem>>[vector<16xi32>, vector<16xi32>], vector<16xf32>,
      %mul3A_182 = arith.mulf %add3A_175, %gather3A_181 : vector<16xf32>
      %add3A_183 = arith.addf %add3A_153, %mul3A_182 : vector<16xf32>
      %broadcast_in_dim3A_184 = arith.constant 0.000000e+00 : f32
      %broadcast_in_dim3A_185 = vector.broadcast %broadcast_in_dim3A_184 : f32 to vector<16xf32>
      %get3A_186 = arith.constant 12 : i32
      %get3A_187 = arith.index_cast %get3A_186 : i32 to index
      %get3A_188 = arith.constant 0 : index
      %get3A_189 = tpu.vector_load %arg8[%get3A_187, %get3A_188] {strides = array<i32>} : memref<16x32xf32, #tpu.memory_space<vmem>>, vector<16xf32>,
      %add3A_190 = arith.addf %broadcast_in_dim3A_185, %get3A_189 : vector<16xf32>
      %get3A_191 = arith.constant 13 : i32
      %get3A_192 = arith.index_cast %get3A_191 : i32 to index
      %get3A_193 = arith.constant 0 : index
      %get3A_194 = tpu.vector_load %arg8[%get3A_192, %get3A_193] {strides = array<i32>} : memref<16x32xf32, #tpu.memory_space<vmem>>, vector<16xf32>,
      %add3A_195 = arith.addf %add3A_190, %get3A_194 : vector<16xf32>
      %get3A_196 = arith.constant 14 : i32
      %get3A_197 = arith.index_cast %get3A_196 : i32 to index
      %get3A_198 = arith.constant 0 : index
      %get3A_199 = tpu.vector_load %arg8[%get3A_197, %get3A_198] {strides = array<i32>} : memref<16x32xf32, #tpu.memory_space<vmem>>, vector<16xf32>,
      %add3A_200 = arith.addf %add3A_195, %get3A_199 : vector<16xf32>
      %get3A_201 = arith.constant 15 : i32
      %get3A_202 = arith.index_cast %get3A_201 : i32 to index
      %get3A_203 = arith.constant 0 : index
      %get3A_204 = tpu.vector_load %arg8[%get3A_202, %get3A_203] {strides = array<i32>} : memref<16x32xf32, #tpu.memory_space<vmem>>, vector<16xf32>,
      %add3A_205 = arith.addf %add3A_200, %get3A_204 : vector<16xf32>
      %add3A_206 = arith.constant 0 : i32
      %add3A_207 = vector.broadcast %add3A_206 : i32 to vector<16xi32>
      %add3A_208 = arith.addi %iota3A, %add3A_207 : vector<16xi32>
      %broadcast_in_dim3A_209 = arith.constant 3 : i32
      %broadcast_in_dim3A_210 = vector.broadcast %broadcast_in_dim3A_209 : i32 to vector<16xi32>
      %gather3A_211 = tpu.vector_load_idx %arg7[%add3A_208, %broadcast_in_dim3A_210] : memref<32x128xf32, #tpu.memory_space<vmem>>[vector<16xi32>, vector<16xi32>], vector<16xf32>,
      %mul3A_212 = arith.mulf %add3A_205, %gather3A_211 : vector<16xf32>
      %add3A_213 = arith.addf %add3A_183, %mul3A_212 : vector<16xf32>
      %broadcast_in_dim3A_214 = arith.constant 0.000000e+00 : f32
      %broadcast_in_dim3A_215 = vector.broadcast %broadcast_in_dim3A_214 : f32 to vector<16xf32>
      %get3A_216 = arith.constant 12 : i32
      %get3A_217 = arith.index_cast %get3A_216 : i32 to index
      %get3A_218 = arith.constant 16 : index
      %get3A_219 = tpu.vector_load %arg8[%get3A_217, %get3A_218] {strides = array<i32>} : memref<16x32xf32, #tpu.memory_space<vmem>>, vector<16xf32>,
      %add3A_220 = arith.addf %broadcast_in_dim3A_215, %get3A_219 : vector<16xf32>
      %get3A_221 = arith.constant 13 : i32
      %get3A_222 = arith.index_cast %get3A_221 : i32 to index
      %get3A_223 = arith.constant 16 : index
      %get3A_224 = tpu.vector_load %arg8[%get3A_222, %get3A_223] {strides = array<i32>} : memref<16x32xf32, #tpu.memory_space<vmem>>, vector<16xf32>,
      %add3A_225 = arith.addf %add3A_220, %get3A_224 : vector<16xf32>
      %get3A_226 = arith.constant 14 : i32
      %get3A_227 = arith.index_cast %get3A_226 : i32 to index
      %get3A_228 = arith.constant 16 : index
      %get3A_229 = tpu.vector_load %arg8[%get3A_227, %get3A_228] {strides = array<i32>} : memref<16x32xf32, #tpu.memory_space<vmem>>, vector<16xf32>,
      %add3A_230 = arith.addf %add3A_225, %get3A_229 : vector<16xf32>
      %get3A_231 = arith.constant 15 : i32
      %get3A_232 = arith.index_cast %get3A_231 : i32 to index
      %get3A_233 = arith.constant 16 : index
      %get3A_234 = tpu.vector_load %arg8[%get3A_232, %get3A_233] {strides = array<i32>} : memref<16x32xf32, #tpu.memory_space<vmem>>, vector<16xf32>,
      %add3A_235 = arith.addf %add3A_230, %get3A_234 : vector<16xf32>
      %add3A_236 = arith.constant 16 : i32
      %add3A_237 = vector.broadcast %add3A_236 : i32 to vector<16xi32>
      %add3A_238 = arith.addi %iota3A, %add3A_237 : vector<16xi32>
      %broadcast_in_dim3A_239 = arith.constant 3 : i32
      %broadcast_in_dim3A_240 = vector.broadcast %broadcast_in_dim3A_239 : i32 to vector<16xi32>
      %gather3A_241 = tpu.vector_load_idx %arg7[%add3A_238, %broadcast_in_dim3A_240] : memref<32x128xf32, #tpu.memory_space<vmem>>[vector<16xi32>, vector<16xi32>], vector<16xf32>,
      %mul3A_242 = arith.mulf %add3A_235, %gather3A_241 : vector<16xf32>
      %add3A_243 = arith.addf %add3A_213, %mul3A_242 : vector<16xf32>
      %reduce_sum3A = arith.constant true
      %reduce_sum3A_244 = vector.broadcast %reduce_sum3A : i1 to vector<16xi1>
      %reduce_sum3A_245 = tpu.scan <sum>, %add3A_243 masked %reduce_sum3A_244 : vector<16xf32>, vector<16xi1> -> vector<16xf32>
      %reduce_sum3A_246 = vector.extract %reduce_sum3A_245[15] : f32 from vector<16xf32>
      %eq3A_247 = arith.constant 0 : i32
      %eq3A_248 = vector.broadcast %eq3A_247 : i32 to vector<16xi32>
      %eq3A_249 = arith.cmpi eq, %iota3A, %eq3A_248 : vector<16xi32>
      %mul3A_250 = arith.constant 4.76837181E-10 : f32
      %mul3A_251 = arith.mulf %reduce_sum3A_246, %mul3A_250 : f32
      %broadcast_in_dim3A_252 = vector.broadcast %mul3A_251 : f32 to vector<16xf32>
      %broadcast_in_dim3A_253 = arith.constant 0.000000e+00 : f32
      %broadcast_in_dim3A_254 = vector.broadcast %broadcast_in_dim3A_253 : f32 to vector<16xf32>
      %select_n3A = arith.select %eq3A_249, %broadcast_in_dim3A_252, %broadcast_in_dim3A_254 : vector<16xi1>, vector<16xf32>
      %swap3A = arith.constant 0 : index
      %swap3A_255 = tpu.vector_load %arg9[%swap3A] {strides = array<i32>} : memref<16xf32, #tpu.memory_space<vmem>>, vector<16xf32>,
      tpu.vector_store %arg9[%swap3A], %select_n3A {strides = array<i32>} : memref<16xf32, #tpu.memory_space<vmem>>, vector<16xf32>,
      "tpu.region"() ({
        %run_scoped3A = tpu.sem_alloc : memref<!tpu.dma_semaphore, #tpu.memory_space<semaphore_mem>>
        tpu.enqueue_dma source(%arg9 : memref<16xf32, #tpu.memory_space<vmem>>) target(%arg4 : memref<16xf32, #tpu.memory_space<hbm>>) target_semaphore(%run_scoped3A : memref<!tpu.dma_semaphore, #tpu.memory_space<semaphore_mem>>)
        tpu.wait_dma2 semaphore(%run_scoped3A : memref<!tpu.dma_semaphore, #tpu.memory_space<semaphore_mem>>) src(%arg9 : memref<16xf32, #tpu.memory_space<vmem>>) dst(%arg4 : memref<16xf32, #tpu.memory_space<hbm>>)
        tpu.yield
      }) : () -> ()
    } else {
    }
    return
  }
}

module attributes {stable_mosaic.version = 14 : i64} {
  func.func @_gate_body(%arg0: i32, %arg1: memref<4096x256xf32, #tpu.memory_space<vmem>>, %arg2: memref<4096x256xf32, #tpu.memory_space<vmem>>, %arg3: memref<32x256xf32, #tpu.memory_space<vmem>>, %arg4: memref<1x1x8192xi32, #tpu.memory_space<vmem>>, %arg5: memref<1x1x8192xf32, #tpu.memory_space<vmem>>, %arg6: memref<32x128xf32, #tpu.memory_space<vmem>>) attributes {dimension_semantics = [#tpu.dimension_semantics<arbitrary>], iteration_bounds = array<i64: 2>, scalar_prefetch = 0 : i64, scratch_operands = 0 : i64, tpu.core_type = #tpu.core_type<tc>, window_params = [{transform_indices = @transform_0, window_bounds = array<i64: 4096, 256>}, {transform_indices = @transform_1, window_bounds = array<i64: 4096, 256>}, {pipeline_mode = #tpu.pipeline_mode<synchronous>, transform_indices = @transform_2, window_bounds = array<i64: 32, 256>}, {transform_indices = @transform_3, window_bounds = array<i64: 1, 1, 8192>}, {transform_indices = @transform_4, window_bounds = array<i64: 1, 1, 8192>}, {pipeline_mode = #tpu.pipeline_mode<synchronous>, transform_indices = @transform_5, window_bounds = array<i64: 32, 128>}]} {
    %eq3A = arith.constant 0 : i32
    %eq3A_0 = arith.cmpi eq, %arg0, %eq3A : i32
    %convert_element_type3A = arith.extui %eq3A_0 : i1 to i32
    %cond3A = arith.constant 0 : i32
    %cond3A_1 = arith.cmpi ne, %convert_element_type3A, %cond3A : i32
    scf.if %cond3A_1 {
      %broadcast_in_dim3A_160 = arith.constant 0.000000e+00 : f32
      %broadcast_in_dim3A_161 = vector.broadcast %broadcast_in_dim3A_160 : f32 to vector<32x128xf32>
      %swap3A_162 = arith.constant 0 : index
      %swap3A_163 = arith.constant 0 : index
      %swap3A_164 = vector.load %arg6[%swap3A_162, %swap3A_163] : memref<32x128xf32, #tpu.memory_space<vmem>>, vector<32x128xf32>
      tpu.vector_store %arg6[%swap3A_162, %swap3A_163], %broadcast_in_dim3A_161 {strides = array<i32>} : memref<32x128xf32, #tpu.memory_space<vmem>>, vector<32x128xf32>,
    } else {
    }
    %get3A = arith.constant 0 : index
    %get3A_2 = arith.constant 0 : index
    %get3A_3 = vector.load %arg3[%get3A, %get3A_2] : memref<32x256xf32, #tpu.memory_space<vmem>>, vector<32x256xf32>
    %iota3A = tpu.iota {dimensions = array<i32: 1>} : vector<1x128xi32>
    %get3A_4 = arith.constant 0 : index
    %get3A_5 = arith.constant 0 : index
    %get3A_6 = vector.load %arg1[%get3A_4, %get3A_5] : memref<4096x256xf32, #tpu.memory_space<vmem>>, vector<4096x256xf32>
    %dot_general3A = arith.constant dense<0.000000e+00> : vector<32x4096xf32>
    %dot_general3A_7 = tpu.matmul %get3A_3, %get3A_6, %dot_general3A {dimension_numbers = #tpu.dot_dimension_numbers<[1], [1], [0], [0], [0, 0, 1, 0], [], []>, transpose_lhs_hint = false} : vector<32x256xf32>, vector<4096x256xf32>, vector<32x4096xf32> -> vector<32x4096xf32>
    %reduce_max3A = arith.constant dense<0xFF800000> : vector<4096xf32>
    %reduce_max3A_8 = vector.multi_reduction <maximumf>, %dot_general3A_7, %reduce_max3A [0] : vector<32x4096xf32> to vector<4096xf32>
    %broadcast_in_dim3A = vector.shape_cast %reduce_max3A_8 : vector<4096xf32> to vector<1x4096xf32>
    %sub3A = vector.broadcast %broadcast_in_dim3A : vector<1x4096xf32> to vector<32x4096xf32>
    %sub3A_9 = arith.subf %dot_general3A_7, %sub3A : vector<32x4096xf32>
    %exp3A = math.exp %sub3A_9 : vector<32x4096xf32>
    %reduce_sum3A = arith.constant dense<0.000000e+00> : vector<4096xf32>
    %reduce_sum3A_10 = vector.multi_reduction <add>, %exp3A, %reduce_sum3A [0] : vector<32x4096xf32> to vector<4096xf32>
    %broadcast_in_dim3A_11 = vector.shape_cast %reduce_sum3A_10 : vector<4096xf32> to vector<1x4096xf32>
    %iota3A_12 = tpu.iota {dimensions = array<i32: 0>} : vector<32x4096xi32>
    %eq3A_13 = vector.broadcast %broadcast_in_dim3A : vector<1x4096xf32> to vector<32x4096xf32>
    %eq3A_14 = arith.cmpf oeq, %dot_general3A_7, %eq3A_13 : vector<32x4096xf32>
    %jit3A = arith.constant 32 : i32
    %broadcast_in_dim3A_15 = vector.broadcast %jit3A : i32 to vector<32x4096xi32>
    %select_n3A = arith.select %eq3A_14, %iota3A_12, %broadcast_in_dim3A_15 : vector<32x4096xi1>, vector<32x4096xi32>
    %reduce_min3A = arith.constant dense<2147483647> : vector<4096xi32>
    %reduce_min3A_16 = vector.multi_reduction <minsi>, %select_n3A, %reduce_min3A [0] : vector<32x4096xi32> to vector<4096xi32>
    %broadcast_in_dim3A_17 = vector.shape_cast %reduce_min3A_16 : vector<4096xi32> to vector<1x4096xi32>
    %squeeze3A = vector.shape_cast %broadcast_in_dim3A_17 : vector<1x4096xi32> to vector<4096xi32>
    %swap3A = arith.constant 0 : index
    %swap3A_18 = arith.constant 0 : index
    %swap3A_19 = arith.constant 0 : index
    %swap3A_20 = vector.load %arg4[%swap3A, %swap3A_18, %swap3A_19] : memref<1x1x8192xi32, #tpu.memory_space<vmem>>, vector<1x1x4096xi32>
    %swap3A_21 = vector.shape_cast %swap3A_20 : vector<1x1x4096xi32> to vector<4096xi32>
    %swap3A_22 = vector.shape_cast %squeeze3A : vector<4096xi32> to vector<1x1x4096xi32>
    tpu.vector_store %arg4[%swap3A, %swap3A_18, %swap3A_19], %swap3A_22 {strides = array<i32>} : memref<1x1x8192xi32, #tpu.memory_space<vmem>>, vector<1x1x4096xi32>,
    %div3A = arith.constant 1.000000e+00 : f32
    %div3A_23 = vector.broadcast %div3A : f32 to vector<1x4096xf32>
    %div3A_24 = arith.divf %div3A_23, %broadcast_in_dim3A_11 : vector<1x4096xf32>
    %squeeze3A_25 = vector.shape_cast %div3A_24 : vector<1x4096xf32> to vector<4096xf32>
    %swap3A_26 = arith.constant 0 : index
    %swap3A_27 = arith.constant 0 : index
    %swap3A_28 = arith.constant 0 : index
    %swap3A_29 = vector.load %arg5[%swap3A_26, %swap3A_27, %swap3A_28] : memref<1x1x8192xf32, #tpu.memory_space<vmem>>, vector<1x1x4096xf32>
    %swap3A_30 = vector.shape_cast %swap3A_29 : vector<1x1x4096xf32> to vector<4096xf32>
    %swap3A_31 = vector.shape_cast %squeeze3A_25 : vector<4096xf32> to vector<1x1x4096xf32>
    tpu.vector_store %arg5[%swap3A_26, %swap3A_27, %swap3A_28], %swap3A_31 {strides = array<i32>} : memref<1x1x8192xf32, #tpu.memory_space<vmem>>, vector<1x1x4096xf32>,
    %div3A_32 = vector.broadcast %broadcast_in_dim3A_11 : vector<1x4096xf32> to vector<32x4096xf32>
    %div3A_33 = arith.divf %exp3A, %div3A_32 : vector<32x4096xf32>
    %mul3A = arith.constant 2 : i32
    %mul3A_34 = arith.muli %arg0, %mul3A : i32
    %add3A = arith.constant 0 : i32
    %add3A_35 = arith.addi %mul3A_34, %add3A : i32
    %jit3A_36 = arith.constant 1 : i32
    %div3A_37 = arith.divsi %add3A_35, %jit3A_36 : i32
    %sign3A = arith.constant 0 : i32
    %sign3A_38 = arith.cmpi sgt, %add3A_35, %sign3A : i32
    %sign3A_39 = arith.extui %sign3A_38 : i1 to i32
    %sign3A_40 = arith.constant 0 : i32
    %sign3A_41 = arith.cmpi slt, %add3A_35, %sign3A_40 : i32
    %sign3A_42 = arith.extui %sign3A_41 : i1 to i32
    %sign3A_43 = arith.subi %sign3A_39, %sign3A_42 : i32
    %sign3A_44 = arith.constant 0 : i32
    %sign3A_45 = arith.cmpi sgt, %jit3A_36, %sign3A_44 : i32
    %sign3A_46 = arith.extui %sign3A_45 : i1 to i32
    %sign3A_47 = arith.constant 0 : i32
    %sign3A_48 = arith.cmpi slt, %jit3A_36, %sign3A_47 : i32
    %sign3A_49 = arith.extui %sign3A_48 : i1 to i32
    %sign3A_50 = arith.subi %sign3A_46, %sign3A_49 : i32
    %ne3A = arith.cmpi ne, %sign3A_43, %sign3A_50 : i32
    %rem3A = arith.remsi %add3A_35, %jit3A_36 : i32
    %ne3A_51 = arith.constant 0 : i32
    %ne3A_52 = arith.cmpi ne, %rem3A, %ne3A_51 : i32
    %and3A = arith.andi %ne3A, %ne3A_52 : i1
    %sub3A_53 = arith.constant 1 : i32
    %sub3A_54 = arith.subi %div3A_37, %sub3A_53 : i32
    %select_n3A_55 = arith.select %and3A, %sub3A_54, %div3A_37 : i32
    %eq3A_56 = vector.broadcast %select_n3A_55 : i32 to vector<1x128xi32>
    %eq3A_57 = arith.cmpi eq, %iota3A, %eq3A_56 : vector<1x128xi32>
    %convert_element_type3A_58 = arith.extui %eq3A_57 : vector<1x128xi1> to vector<1x128xi32>
    %convert_element_type3A_59 = arith.sitofp %convert_element_type3A_58 : vector<1x128xi32> to vector<1x128xf32>
    %get3A_60 = arith.constant 0 : index
    %get3A_61 = arith.constant 0 : index
    %get3A_62 = vector.load %arg6[%get3A_60, %get3A_61] : memref<32x128xf32, #tpu.memory_space<vmem>>, vector<32x128xf32>
    %reduce_sum3A_63 = arith.constant dense<0.000000e+00> : vector<32xf32>
    %reduce_sum3A_64 = vector.multi_reduction <add>, %div3A_33, %reduce_sum3A_63 [1] : vector<32x4096xf32> to vector<32xf32>
    %broadcast_in_dim3A_65 = vector.shape_cast %reduce_sum3A_64 : vector<32xf32> to vector<32x1xf32>
    %mul3A_66 = vector.broadcast %broadcast_in_dim3A_65 : vector<32x1xf32> to vector<32x128xf32>
    %mul3A_67 = vector.broadcast %convert_element_type3A_59 : vector<1x128xf32> to vector<32x128xf32>
    %mul3A_68 = arith.mulf %mul3A_66, %mul3A_67 : vector<32x128xf32>
    %add3A_69 = arith.addf %get3A_62, %mul3A_68 : vector<32x128xf32>
    %swap3A_70 = arith.constant 0 : index
    %swap3A_71 = arith.constant 0 : index
    %swap3A_72 = vector.load %arg6[%swap3A_70, %swap3A_71] : memref<32x128xf32, #tpu.memory_space<vmem>>, vector<32x128xf32>
    tpu.vector_store %arg6[%swap3A_70, %swap3A_71], %add3A_69 {strides = array<i32>} : memref<32x128xf32, #tpu.memory_space<vmem>>, vector<32x128xf32>,
    %get3A_73 = arith.constant 0 : index
    %get3A_74 = arith.constant 0 : index
    %get3A_75 = vector.load %arg2[%get3A_73, %get3A_74] : memref<4096x256xf32, #tpu.memory_space<vmem>>, vector<4096x256xf32>
    %dot_general3A_76 = arith.constant dense<0.000000e+00> : vector<32x4096xf32>
    %dot_general3A_77 = tpu.matmul %get3A_3, %get3A_75, %dot_general3A_76 {dimension_numbers = #tpu.dot_dimension_numbers<[1], [1], [0], [0], [0, 0, 1, 0], [], []>, transpose_lhs_hint = false} : vector<32x256xf32>, vector<4096x256xf32>, vector<32x4096xf32> -> vector<32x4096xf32>
    %reduce_max3A_78 = arith.constant dense<0xFF800000> : vector<4096xf32>
    %reduce_max3A_79 = vector.multi_reduction <maximumf>, %dot_general3A_77, %reduce_max3A_78 [0] : vector<32x4096xf32> to vector<4096xf32>
    %broadcast_in_dim3A_80 = vector.shape_cast %reduce_max3A_79 : vector<4096xf32> to vector<1x4096xf32>
    %sub3A_81 = vector.broadcast %broadcast_in_dim3A_80 : vector<1x4096xf32> to vector<32x4096xf32>
    %sub3A_82 = arith.subf %dot_general3A_77, %sub3A_81 : vector<32x4096xf32>
    %exp3A_83 = math.exp %sub3A_82 : vector<32x4096xf32>
    %reduce_sum3A_84 = arith.constant dense<0.000000e+00> : vector<4096xf32>
    %reduce_sum3A_85 = vector.multi_reduction <add>, %exp3A_83, %reduce_sum3A_84 [0] : vector<32x4096xf32> to vector<4096xf32>
    %broadcast_in_dim3A_86 = vector.shape_cast %reduce_sum3A_85 : vector<4096xf32> to vector<1x4096xf32>
    %iota3A_87 = tpu.iota {dimensions = array<i32: 0>} : vector<32x4096xi32>
    %eq3A_88 = vector.broadcast %broadcast_in_dim3A_80 : vector<1x4096xf32> to vector<32x4096xf32>
    %eq3A_89 = arith.cmpf oeq, %dot_general3A_77, %eq3A_88 : vector<32x4096xf32>
    %jit3A_90 = arith.constant 32 : i32
    %broadcast_in_dim3A_91 = vector.broadcast %jit3A_90 : i32 to vector<32x4096xi32>
    %select_n3A_92 = arith.select %eq3A_89, %iota3A_87, %broadcast_in_dim3A_91 : vector<32x4096xi1>, vector<32x4096xi32>
    %reduce_min3A_93 = arith.constant dense<2147483647> : vector<4096xi32>
    %reduce_min3A_94 = vector.multi_reduction <minsi>, %select_n3A_92, %reduce_min3A_93 [0] : vector<32x4096xi32> to vector<4096xi32>
    %broadcast_in_dim3A_95 = vector.shape_cast %reduce_min3A_94 : vector<4096xi32> to vector<1x4096xi32>
    %squeeze3A_96 = vector.shape_cast %broadcast_in_dim3A_95 : vector<1x4096xi32> to vector<4096xi32>
    %swap3A_97 = arith.constant 0 : index
    %swap3A_98 = arith.constant 0 : index
    %swap3A_99 = arith.constant 4096 : index
    %swap3A_100 = vector.load %arg4[%swap3A_97, %swap3A_98, %swap3A_99] : memref<1x1x8192xi32, #tpu.memory_space<vmem>>, vector<1x1x4096xi32>
    %swap3A_101 = vector.shape_cast %swap3A_100 : vector<1x1x4096xi32> to vector<4096xi32>
    %swap3A_102 = vector.shape_cast %squeeze3A_96 : vector<4096xi32> to vector<1x1x4096xi32>
    tpu.vector_store %arg4[%swap3A_97, %swap3A_98, %swap3A_99], %swap3A_102 {strides = array<i32>} : memref<1x1x8192xi32, #tpu.memory_space<vmem>>, vector<1x1x4096xi32>,
    %div3A_103 = arith.constant 1.000000e+00 : f32
    %div3A_104 = vector.broadcast %div3A_103 : f32 to vector<1x4096xf32>
    %div3A_105 = arith.divf %div3A_104, %broadcast_in_dim3A_86 : vector<1x4096xf32>
    %squeeze3A_106 = vector.shape_cast %div3A_105 : vector<1x4096xf32> to vector<4096xf32>
    %swap3A_107 = arith.constant 0 : index
    %swap3A_108 = arith.constant 0 : index
    %swap3A_109 = arith.constant 4096 : index
    %swap3A_110 = vector.load %arg5[%swap3A_107, %swap3A_108, %swap3A_109] : memref<1x1x8192xf32, #tpu.memory_space<vmem>>, vector<1x1x4096xf32>
    %swap3A_111 = vector.shape_cast %swap3A_110 : vector<1x1x4096xf32> to vector<4096xf32>
    %swap3A_112 = vector.shape_cast %squeeze3A_106 : vector<4096xf32> to vector<1x1x4096xf32>
    tpu.vector_store %arg5[%swap3A_107, %swap3A_108, %swap3A_109], %swap3A_112 {strides = array<i32>} : memref<1x1x8192xf32, #tpu.memory_space<vmem>>, vector<1x1x4096xf32>,
    %div3A_113 = vector.broadcast %broadcast_in_dim3A_86 : vector<1x4096xf32> to vector<32x4096xf32>
    %div3A_114 = arith.divf %exp3A_83, %div3A_113 : vector<32x4096xf32>
    %mul3A_115 = arith.constant 2 : i32
    %mul3A_116 = arith.muli %arg0, %mul3A_115 : i32
    %add3A_117 = arith.constant 1 : i32
    %add3A_118 = arith.addi %mul3A_116, %add3A_117 : i32
    %jit3A_119 = arith.constant 1 : i32
    %div3A_120 = arith.divsi %add3A_118, %jit3A_119 : i32
    %sign3A_121 = arith.constant 0 : i32
    %sign3A_122 = arith.cmpi sgt, %add3A_118, %sign3A_121 : i32
    %sign3A_123 = arith.extui %sign3A_122 : i1 to i32
    %sign3A_124 = arith.constant 0 : i32
    %sign3A_125 = arith.cmpi slt, %add3A_118, %sign3A_124 : i32
    %sign3A_126 = arith.extui %sign3A_125 : i1 to i32
    %sign3A_127 = arith.subi %sign3A_123, %sign3A_126 : i32
    %sign3A_128 = arith.constant 0 : i32
    %sign3A_129 = arith.cmpi sgt, %jit3A_119, %sign3A_128 : i32
    %sign3A_130 = arith.extui %sign3A_129 : i1 to i32
    %sign3A_131 = arith.constant 0 : i32
    %sign3A_132 = arith.cmpi slt, %jit3A_119, %sign3A_131 : i32
    %sign3A_133 = arith.extui %sign3A_132 : i1 to i32
    %sign3A_134 = arith.subi %sign3A_130, %sign3A_133 : i32
    %ne3A_135 = arith.cmpi ne, %sign3A_127, %sign3A_134 : i32
    %rem3A_136 = arith.remsi %add3A_118, %jit3A_119 : i32
    %ne3A_137 = arith.constant 0 : i32
    %ne3A_138 = arith.cmpi ne, %rem3A_136, %ne3A_137 : i32
    %and3A_139 = arith.andi %ne3A_135, %ne3A_138 : i1
    %sub3A_140 = arith.constant 1 : i32
    %sub3A_141 = arith.subi %div3A_120, %sub3A_140 : i32
    %select_n3A_142 = arith.select %and3A_139, %sub3A_141, %div3A_120 : i32
    %eq3A_143 = vector.broadcast %select_n3A_142 : i32 to vector<1x128xi32>
    %eq3A_144 = arith.cmpi eq, %iota3A, %eq3A_143 : vector<1x128xi32>
    %convert_element_type3A_145 = arith.extui %eq3A_144 : vector<1x128xi1> to vector<1x128xi32>
    %convert_element_type3A_146 = arith.sitofp %convert_element_type3A_145 : vector<1x128xi32> to vector<1x128xf32>
    %get3A_147 = arith.constant 0 : index
    %get3A_148 = arith.constant 0 : index
    %get3A_149 = vector.load %arg6[%get3A_147, %get3A_148] : memref<32x128xf32, #tpu.memory_space<vmem>>, vector<32x128xf32>
    %reduce_sum3A_150 = arith.constant dense<0.000000e+00> : vector<32xf32>
    %reduce_sum3A_151 = vector.multi_reduction <add>, %div3A_114, %reduce_sum3A_150 [1] : vector<32x4096xf32> to vector<32xf32>
    %broadcast_in_dim3A_152 = vector.shape_cast %reduce_sum3A_151 : vector<32xf32> to vector<32x1xf32>
    %mul3A_153 = vector.broadcast %broadcast_in_dim3A_152 : vector<32x1xf32> to vector<32x128xf32>
    %mul3A_154 = vector.broadcast %convert_element_type3A_146 : vector<1x128xf32> to vector<32x128xf32>
    %mul3A_155 = arith.mulf %mul3A_153, %mul3A_154 : vector<32x128xf32>
    %add3A_156 = arith.addf %get3A_149, %mul3A_155 : vector<32x128xf32>
    %swap3A_157 = arith.constant 0 : index
    %swap3A_158 = arith.constant 0 : index
    %swap3A_159 = vector.load %arg6[%swap3A_157, %swap3A_158] : memref<32x128xf32, #tpu.memory_space<vmem>>, vector<32x128xf32>
    tpu.vector_store %arg6[%swap3A_157, %swap3A_158], %add3A_156 {strides = array<i32>} : memref<32x128xf32, #tpu.memory_space<vmem>>, vector<32x128xf32>,
    return
  }
  func.func @transform_0(%arg0: i32) -> (i32, i32) {
    %mul3A = arith.constant 2 : i32
    %mul3A_0 = arith.muli %arg0, %mul3A : i32
    %add3A = arith.constant 0 : i32
    %add3A_1 = arith.addi %mul3A_0, %add3A : i32
    %c0_i32 = arith.constant 0 : i32
    %c0_i32_2 = arith.constant 0 : i32
    return %add3A_1, %c0_i32 : i32, i32
  }
  func.func @transform_1(%arg0: i32) -> (i32, i32) {
    %mul3A = arith.constant 2 : i32
    %mul3A_0 = arith.muli %arg0, %mul3A : i32
    %add3A = arith.constant 1 : i32
    %add3A_1 = arith.addi %mul3A_0, %add3A : i32
    %c0_i32 = arith.constant 0 : i32
    %c0_i32_2 = arith.constant 0 : i32
    return %add3A_1, %c0_i32 : i32, i32
  }
  func.func @transform_2(%arg0: i32) -> (i32, i32) {
    %c0_i32 = arith.constant 0 : i32
    %c0_i32_0 = arith.constant 0 : i32
    %c0_i32_1 = arith.constant 0 : i32
    return %c0_i32, %c0_i32_0 : i32, i32
  }
  func.func @transform_3(%arg0: i32) -> (i32, i32, i32) {
    %c0_i32 = arith.constant 0 : i32
    %c0_i32_0 = arith.constant 0 : i32
    %c0_i32_1 = arith.constant 0 : i32
    return %arg0, %c0_i32, %c0_i32_0 : i32, i32, i32
  }
  func.func @transform_4(%arg0: i32) -> (i32, i32, i32) {
    %c0_i32 = arith.constant 0 : i32
    %c0_i32_0 = arith.constant 0 : i32
    %c0_i32_1 = arith.constant 0 : i32
    return %arg0, %c0_i32, %c0_i32_0 : i32, i32, i32
  }
  func.func @transform_5(%arg0: i32) -> (i32, i32) {
    %c0_i32 = arith.constant 0 : i32
    %c0_i32_0 = arith.constant 0 : i32
    %c0_i32_1 = arith.constant 0 : i32
    return %c0_i32, %c0_i32_0 : i32, i32
  }
}

</mosaic_0001>

<sc_bundles>
// kernel: kernel.4.cloned.1.call-start
scs
__scs_entry_jumppad:
0x0: {  	(pc) =	sbr.rel $0x88, $3  }
0x1: {  	(tag) =	ssettag $0x0;
	lr =	simm.s32 $0x1  }
0x2: {  	[smem:$0x3F9F] =	sst lr;
	_ =	strace $0xD0000000  }
0x3: {  	_ = 	snop  }
0x4: {  	_ = 	snop  }
0x5: {  	_ = 	snop  }
0x6: {  	_ = 	snop  }
0x7: {  	_ = 	snop  }
__scs_overlays_trampoline_lowered:
0x8: {  	[smem:$0x3FAE] =	sst s0  }
0x9: {  	[smem:$0x3FAF] =	sst s1  }
0xa: {  	[smem:$0x3FB0] =	sst s2  }
0xb: {  	[smem:$0x3FB1] =	sst s3  }
0xc: {  	[smem:$0x3FB2] =	sst s4  }
0xd: {  	[smem:$0x3FB3] =	sst s5  }
0xe: {  	[smem:$0x3FB4] =	sst s6  }
0xf: {  	[smem:$0x3FB5] =	sst s7  }
0x10: {  	[smem:$0x3FB6] =	sst s8  }
0x11: {  	[smem:$0x3FB7] =	sst s9;
	s0 =	simm.s32 @!p0 $0x0  }
0x12: {  	s1 =	sld [smem:$0x3F9D];
	s0 =	simm.s32 @p0 $0x1  }
0x13: {  	[smem:$0x3FB8] =	sst s0;
	s0 =	simm.s32 @!p1 $0x0  }
0x14: {  	s2 =	sld [smem:$0x3F9C];
	s0 =	simm.s32 @p1 $0x1  }
0x15: {  	[smem:$0x3FB9] =	sst s0;
	s0 =	simm.s32 @!p2 $0x0  }
0x16: {  	s3 =	sld [smem:$0x3FDB];
	s0 =	simm.s32 @p2 $0x1  }
0x17: {  	s4 =	simm.s32 $0x1BF5;
	[smem:$0x3FBB] =	sst s0  }
0x18: {  	s0 =	sld [smem:$0x3F9E];
	_ =	swait.ge [sflag:s4], $0x0  }
0x19: {  	s7 =	sld [smem:$0x3F9F]  }
0x1a: {  	s8 =	sadd.s32 $0xFFFFE003, lr  }
0x1b: {  	s9 =	sadd.s32 $0xFFFFFEF7, lr;
	s5 =	simm.s32 $0xFFFFFFFF;
	p2 =	slt.u32 s8, $0xFFFFF086  }
0x1c: {  	p1 =	slt.u32 s9, $0xF7A;
	s5 =	simm.s32 @!p2 $0x0  }
0x1d: {  	s5 =	simm.s32 @p1 $0x1;
	p0 =	seq.s32 s7, s2  }
0x1e: {  	s7 =	smul.u32 @!p0 $0xF7A, s2;
	p2 =	seq.s32 @!p0 s5, $0x0  }
0x1f: {  	s9 =	smul.u32 $0xF7A, s1;
	s8 =	simm.s32 @!p0 $0x1BF5;
	p2 =	por !p2, p0  }
0x20: {  	[sflag:s8] =	ssyncset.s32 @!p0 $0xFFFFF086;
	s6 =	sadd.s32 @!p0 s3, s7;
	s7 =	simm.s32 @!p0 $0x108  }
0x21: {  	s3 =	sadd.s32 s3, s9;
	s6 =	sadd.s32 @!p0 $0x88, s6;
	s7 =	simm.s32 @p2 $0x1082  }
0x22: {  	[simem:s7], [sflag:s8] =	dma.local @!p0 [hbm:s6], $0xF7A  }
0x23: {  	s9 =	sor.u32 $0xD0000000, s2;
	s6 =	simm.s32 $0x108;
	_ =	swait.ge @!p0 [sflag:s8], $0x0  }
0x24: {  	s3 =	sadd.s32 $0x88, s3;
	s6 =	simm.s32 @!p1 $0x1082;
	[sflag:s4] =	ssyncset.s32 $0xFFFFF086  }
0x25: {  	[simem:s6], [sflag:s4] =	dma.local [hbm:s3], $0xF7A  }
0x26: {  	[smem:$0x3F9F] =	sst s1;
	(tag) =	ssettag s2;
	_ =	strace s9  }
0x27: {  	s1 =	sld [smem:$0x3FAF]  }
0x28: {  	s2 =	sld [smem:$0x3FB0]  }
0x29: {  	s4 =	sld [smem:$0x3FB2]  }
0x2a: {  	p0 =	seq.s32 s5, $0x0;
	s5 =	sld [smem:$0x3FB3]  }
0x2b: {  	s6 =	sld [smem:$0x3FB4]  }
0x2c: {  	s7 =	sld [smem:$0x3FB5]  }
0x2d: {  	s3 =	simm.s32 $0x108;
	s8 =	sld [smem:$0x3FB6]  }
0x2e: {  	s3 =	simm.s32 @!p0 $0x1082;
	s9 =	sld [smem:$0x3FB7]  }
0x2f: {  	lr =	sadd.s32 s0, s3;
	s0 =	sld [smem:$0x3FAE]  }
0x30: {  	s3 =	sld [smem:$0x3FB1]  }
0x31: {  	[smem:$0x3FBA] =	sst s10  }
0x32: {  	s10 =	sld [smem:$0x3FB8];
	_ =	sdelay $0x3  }
0x33: {  	p0 =	seq.s32 s10, $0x1;
	s10 =	sld [smem:$0x3FBA];
	_ =	sdelay $0x3  }
0x34: {  	[smem:$0x3FBA] =	sst s10  }
0x35: {  	s10 =	sld [smem:$0x3FB9];
	_ =	sdelay $0x3  }
0x36: {  	p1 =	seq.s32 s10, $0x1;
	s10 =	sld [smem:$0x3FBA];
	_ =	sdelay $0x3  }
0x37: {  	[smem:$0x3FBA] =	sst s10  }
0x38: {  	s10 =	sld [smem:$0x3FBB]  }
0x39: {  	_ = 	snop;
	(pc) =	sbr.ind lr, $3  }
0x3a: {  	_ = 	snop  }
0x3b: {  	_ = 	snop  }
0x3c: {  	p2 =	seq.s32 s10, $0x1;
	s10 =	sld [smem:$0x3FBA]  }
0x3d: {  	_ =	shalt  }
0x3e: {  	_ =	shalt  }
0x3f: {  	_ =	shalt  }
0x40: {  	_ =	shalt  }
0x41: {  	_ =	shalt  }
0x42: {  	_ =	shalt  }
0x43: {  	_ =	shalt  }
0x44: {  	_ =	shalt  }
0x45: {  	_ =	shalt  }
0x46: {  	_ =	shalt  }
0x47: {  	_ =	shalt  }
0x48: {  	_ =	shalt  }
0x49: {  	_ =	shalt  }
0x4a: {  	_ =	shalt  }
0x4b: {  	_ =	shalt  }
0x4c: {  	_ =	shalt  }
0x4d: {  	_ =	shalt  }
0x4e: {  	_ =	shalt  }
0x4f: {  	_ =	shalt  }
0x50: {  	_ =	shalt  }
0x51: {  	_ =	shalt  }
0x52: {  	_ =	shalt  }
0x53: {  	_ =	shalt  }
0x54: {  	_ =	shalt  }
0x55: {  	_ =	shalt  }
0x56: {  	_ =	shalt  }
0x57: {  	_ =	shalt  }
0x58: {  	_ =	shalt  }
0x59: {  	_ =	shalt  }
0x5a: {  	_ =	shalt  }
0x5b: {  	_ =	shalt  }
0x5c: {  	_ =	shalt  }
0x5d: {  	_ =	shalt  }
0x5e: {  	_ =	shalt  }
0x5f: {  	_ =	shalt  }
0x60: {  	_ =	shalt  }
0x61: {  	_ =	shalt  }
0x62: {  	_ =	shalt  }
0x63: {  	_ =	shalt  }
0x64: {  	_ =	shalt  }
0x65: {  	_ =	shalt  }
0x66: {  	_ =	shalt  }
0x67: {  	_ =	shalt  }
0x68: {  	_ =	shalt  }
0x69: {  	_ =	shalt  }
0x6a: {  	_ =	shalt  }
0x6b: {  	_ =	shalt  }
0x6c: {  	_ =	shalt  }
0x6d: {  	_ =	shalt  }
0x6e: {  	_ =	shalt  }
0x6f: {  	_ =	shalt  }
0x70: {  	_ =	shalt  }
0x71: {  	_ =	shalt  }
0x72: {  	_ =	shalt  }
0x73: {  	_ =	shalt  }
0x74: {  	_ =	shalt  }
0x75: {  	_ =	shalt  }
0x76: {  	_ =	shalt  }
0x77: {  	_ =	shalt  }
0x78: {  	_ =	shalt  }
0x79: {  	_ =	shalt  }
0x7a: {  	_ =	shalt  }
0x7b: {  	_ =	shalt  }
0x7c: {  	_ =	shalt  }
0x7d: {  	_ =	shalt  }
0x7e: {  	_ =	shalt  }
0x7f: {  	_ =	shalt  }
0x80: {  	_ =	shalt  }
0x81: {  	_ =	shalt  }
0x82: {  	_ =	shalt  }
0x83: {  	_ =	shalt  }
0x84: {  	_ =	shalt  }
0x85: {  	_ =	shalt  }
0x86: {  	_ =	shalt  }
0x87: {  	_ =	shalt  }
.Lfunc_end0:
.L_simem_size_0:
called_computation_lowered:
.L_overlay_start_0:
0x88: {  	s2 =	sld [smem:$0x3FD9]  }
0x89: {  	s3 =	sld [smem:$0x3FFE];
	_ =	sdelay $0x1  }
0x8a: {  	s1 =	srdreg.scid  }
0x8b: {  	s0 =	sand.u32 $0x1, s1  }
0x8c: {  	s15 =	sshll.u32 s0, $0xA;
	s2 =	sadd.s32 s3, s2  }
0x8d: {  	s3 =	sadd.s32 s2, s15  }
0x8e: {  	[smem:$0x3FC6] =	sst s3  }
0x8f: {  	_ = 	snop  }
0x90: {  	s3 =	sld [smem:$0x3FD0];
	_ =	sdelay $0x2  }
0x91: {  	s4 =	simm.s32 $0xA;
	s5 =	simm.s32 $0x10  }
0x92: {  	[smem:s5], [sflag:s4] =	dma.local [hbm:s3], $0x1  }
0x93: {  	_ =	swait.eq [sflag:s4], $0x1  }
0x94: {  	[sflag:s4] =	ssyncset.done $0x0  }
0x95: {  	s16 =	sld [smem:$0x10];
	[sflag:s4] =	ssyncadd.s32 $0xFFFFFFFF  }
0x96: {  	s17 =	sld [smem:$0x12];
	(tm) =	ssettm $0x1  }
0x97: {  	s18 =	sld [smem:$0x3FFB];
	_ =	sdelay $0x3  }
0x98: {  	_ =	strace s18  }
0x99: {  	s5 =	sld [smem:$0x3FFC];
	_ =	sdelay $0x3  }
0x9a: {  	_ =	strace s5  }
0x9b: {  	s5 =	sld [smem:$0x3FFD];
	_ =	sdelay $0x3  }
0x9c: {  	_ =	strace s5  }
0x9d: {  	_ =	strace $0x8FFFFFFF  }
0x9e: {  	s19 =	sld [smem:$0x3FDB];
	_ =	sdelay $0x1  }
0x9f: {  	s6 =	simm.s32 $_scs_section_size  }
0xa0: {  	s7 =	simm.s32 $_size__tile_overlayer_lowered;
	s8 =	simm.s32 $_tile_overlayer_lowered  }
0xa1: {  	s22 =	simm.s32 $0x1BFF;
	s21 =	sshll.u32 s8, $0x1;
	s5 =	sadd.s32 s6, s19  }
0xa2: {  	s9 =	simm.s32 $0x0;
	s20 =	sshll.u32 s7, $0x1;
	s7 =	sadd.s32 s21, s5  }
0xa3: {  	[timem:s9], [sflag:s22] =	dma.local [hbm:s7], s20  }
0xa4: {  	_ =	swait.ge [sflag:s22], s20  }
0xa5: {  	s6 =	ssub.s32 $0x0, s20;
	[sflag:s22] =	ssyncset.done $0x0  }
0xa6: {  	[sflag:s22] =	ssyncadd.s32 s6;
	_ =	sdelay $0x1  }
0xa7: {  	s23 =	simm.s32 $0x1B8B  }
0xa8: {  	_ =	swait.ge [sflag:s23], $0x1  }
0xa9: {  	[sflag:s23] =	ssyncset.done $0x0  }
0xaa: {  	s25 =	simm.s32 $0x1B8E;
	s24 =	sld [smem:$0x3FFE];
	[sflag:s23] =	ssyncadd.s32 $0xFFFFFFFF  }
0xab: {  	s26 =	simm.s32 $execute0_lowered;
	[smem:$0x3FD2] =	sst s25  }
0xac: {  	s7 =	sshll.u32 s26, $0x1;
	_ =	strace $0x80000046;
	[dreg:$0x1] =	wrdreg $0xFFFFFFFF  }
0xad: {  	s28 =	simm.s32 $_size_execute0_lowered;
	s5 =	sadd.s32 s5, s7;
	[dreg:$0x0] =	wrdreg $0x0  }
0xae: {  	s7 =	sshll.u32 s28, $0x1;
	[dreg:$0x2] =	wrdreg s5  }
0xaf: {  	[dreg:$0x3] =	wrdreg s7  }
0xb0: {  	[dreg:$0x4] =	wrdreg $0xC0  }
0xb1: {  	_ =	task [dreg:s9], $0x5FFFF  }
0xb2: {  	[dreg:$0x1] =	wrdreg $0xFFFFFFFF  }
0xb3: {  	[dreg:$0x0] =	wrdreg $0x60  }
0xb4: {  	[dreg:$0x2] =	wrdreg s16  }
0xb5: {  	[dreg:$0x3] =	wrdreg s24  }
0xb6: {  	s2 =	sadd.s32 $0x800, s2;
	[dreg:$0x4] =	wrdreg s17  }
0xb7: {  	[dreg:$0x5] =	wrdreg s2  }
0xb8: {  	[dreg:$0x6] =	wrdreg $0x9  }
0xb9: {  	_ =	task.clear_ibuf [dreg:s9], $0x7FFFF;
	_ =	strace $0x90000046  }
0xba: {  	s29 =	simm.s32 $0x9;
	_ =	strace $0x80000048  }
0xbb: {  	_ =	swait.ge [sflag:s29], $0x1  }
0xbc: {  	[sflag:s29] =	ssyncadd.s32 $0xFFFFFFFF  }
0xbd: {  	_ =	strace $0x90000048  }
0xbe: {  	_ =	sfence  }
0xbf: {  	s30 =	sld [smem:$0x0];
	_ =	sdelay $0x2  }
0xc0: {  	s31 =	sshll.u32 s1, $0xD;
	s1 =	sshrl.u32 s1, $0x2  }
0xc1: {  	s3 =	sand.u32 $0x4000, s31;
	s1 =	sadd.s32 s1, s30  }
0xc2: {  	s0 =	sor.u32 s3, s0;
	s1 =	sshll.u32 s1, $0x11  }
0xc3: {  	s0 =	sor.u32 s1, s0  }
0xc4: {  	s0 =	sadd.s32 $0x8F2B, s0  }
0xc5: {  	[sflag:s0] =	ssyncadd.remote.s32 $0x1  }
0xc6: {  	_ =	sfence.sel $0xFFFF  }
0xc7: {  	[dreg:$0x0] =	wrdreg $0xFFFFFFFF;
	(pc) =	sbr.abs _section_cstart, $3  }
0xc8: {  	[dreg:$0x1] =	wrdreg $0xFFFFFFFF  }
0xc9: {  	_ =	task.clear_ibuf [dreg:s9], $0x2FFFF;
	_ =	strace $0x9FFFFFFF  }
0xca: {  	(tm) =	ssettm $0x7FFFFFFF  }
0xcb: {  	_ =	shalt  }
tec
execute0_lowered:
.L_overlay_start_1:
0x0: {  	(tag) =	ssettag $0x1  }
0x1: {  	s6 =	rddreg [dreg:$0x0]  }
0x2: {  	s5 =	rddreg [dreg:$0x1]  }
0x3: {  	s1 =	rddreg [dreg:$0x2]  }
0x4: {  	s2 =	rddreg [dreg:$0x3];
	s4 =	srdreg.scid  }
0x5: {  	s0 =	rddreg [dreg:$0x4];
	s3 =	simm.s32 $0x0;
	s12 =	simm.s32 $0x480  }
0x6: {  	s13 =	simm.s32 $0x1C80;
	s8 =	sand.u32 $0x1, s4;
	[smem:$0x7FF] =	sst s3  }
0x7: {  	v0 =	vlaneseq.u32;
	s4 =	stileid.u32;
	s5 =	sadd.s32 $0xC00, s5;
	s7 =	ssub.s32 $0x2, s8  }
.Ltmp0:
0x8: {  	v0 =	vmul.u32 $0x80, v0;
	_ =	strace $0x80000047;
	s31 =	sshll.u32 s4, $0x7;
	(pc) =	sbr.rel .LBB2_1-.Ltmp0, $4  }
0x9: {  	v1 =	vimm.f32 $0.0e+00;
	s10 =	sshll.u32 s4, $0x4;
	s11 =	sor.u32 s4, s8;
	p0 =	sne.s32 s8, $0x0  }
0xa: {  	v2 =	vimm.f32 $1.000000000e+00;
	vm0 =	vcmask $0x300;
	s8 =	simm.s32 $0x1;
	s9 =	sshrl.u32 s7, $0x1;
	s6 =	sadd.s32 s6, s31;
	v3 =	vor.u32 $0x800, v0  }
0xb: {  	v4 =	vor.u32 $0x1, v0;
	s10 =	sadd.s32 s10, s2;
	p1 =	sne.s32 s11, $0x0;
	v5 =	vor.u32 $0x801, v0;
	v6 =	vor.u32 $0x2, v0;
	s7 =	ssub.s32 s7, s9  }
0xc: {  	v7 =	vor.u32 $0x802, v0;
	s11 =	simm.s32 $0x1480;
	v8 =	vor.u32 $0x3, v0;
	v9 =	vor.u32 $0x803, v0;
	s9 =	simm.s32 $0x400;
	s7 =	smax.u32 s7, $0x1  }
.LBB2_3:
.Ltmp1:
0xd: {  	(pc) =	sbr.rel @!p1 .LBB2_4-.Ltmp1, $2  }
0xe: {  	_ =	sdelay $0x1  }
0xf: {  	[bflag:$0x0] =	sbarrier.arrive $0xFFFF;
	_ =	sdelay $0x1  }
.LBB2_5:
0x10: {  	s7 =	sadd.s32 $0xFFFFFFFF, s7  }
0x11: {  	p2 =	sne.s32 s7, $0x0  }
.Ltmp2:
0x12: {  	_ = 	snop;
	(pc) =	sbr.rel @!p2 .LBB2_6-.Ltmp2, $1  }
0x13: {  	_ =	sdelay $0x3  }
.LBB2_1:
.Ltmp3:
0x14: {  	(pc) =	sbr.rel @p0 .LBB2_3-.Ltmp3, $1  }
0x15: {  	_ =	sdelay $0x3  }
0x16: {  	[tilespmem:s3], [sflag:$0x1] =	stream.linear.gather [hbm4b:s6+s3], $0x400, $0x38;
	[tilespmem:$0x1D00] =	vst v63  }
0x17: {  	_ =	swait.ge [sflag:s8], $0x400  }
0x18: {  	[sflag:s8] =	ssyncset.done $0x0  }
0x19: {  	[sflag:s8] =	ssyncadd.s32 $0xFFFFFC00  }
0x1a: {  	v10 =	vld [tilespmem:$0x0];
	_ =	sdelay $0x5  }
0x1b: {  	[tilespmem:$0x400] =	vst v1  }
0x1c: {  	[tilespmem:$0x410] =	vst v1  }
0x1d: {  	[tilespmem:v10+s9+$0x0] =	vst.idx.add.f32.msk $0xffff, v2  }
0x1e: {  	v10 =	vld [tilespmem:$0x10];
	_ =	sdelay $0x7  }
0x1f: {  	[tilespmem:v10+s9+$0x0] =	vst.idx.add.f32.msk $0xffff, v2  }
0x20: {  	v10 =	vld [tilespmem:$0x20];
	_ =	sdelay $0x7  }
0x21: {  	[tilespmem:v10+s9+$0x0] =	vst.idx.add.f32.msk $0xffff, v2  }
0x22: {  	v10 =	vld [tilespmem:$0x30];
	_ =	sdelay $0x7  }
0x23: {  	[tilespmem:v10+s9+$0x0] =	vst.idx.add.f32.msk $0xffff, v2  }
0x24: {  	v10 =	vld [tilespmem:$0x40];
	_ =	sdelay $0x7  }
0x25: {  	[tilespmem:v10+s9+$0x0] =	vst.idx.add.f32.msk $0xffff, v2  }
0x26: {  	v10 =	vld [tilespmem:$0x50];
	_ =	sdelay $0x7  }
0x27: {  	[tilespmem:v10+s9+$0x0] =	vst.idx.add.f32.msk $0xffff, v2  }
0x28: {  	v10 =	vld [tilespmem:$0x60];
	_ =	sdelay $0x7  }
0x29: {  	[tilespmem:v10+s9+$0x0] =	vst.idx.add.f32.msk $0xffff, v2  }
0x2a: {  	v10 =	vld [tilespmem:$0x70];
	_ =	sdelay $0x7  }
0x2b: {  	[tilespmem:v10+s9+$0x0] =	vst.idx.add.f32.msk $0xffff, v2  }
0x2c: {  	v10 =	vld [tilespmem:$0x80];
	_ =	sdelay $0x7  }
0x2d: {  	[tilespmem:v10+s9+$0x0] =	vst.idx.add.f32.msk $0xffff, v2  }
0x2e: {  	v10 =	vld [tilespmem:$0x90];
	_ =	sdelay $0x7  }
0x2f: {  	[tilespmem:v10+s9+$0x0] =	vst.idx.add.f32.msk $0xffff, v2  }
0x30: {  	v10 =	vld [tilespmem:$0xA0];
	_ =	sdelay $0x7  }
0x31: {  	[tilespmem:v10+s9+$0x0] =	vst.idx.add.f32.msk $0xffff, v2  }
0x32: {  	v10 =	vld [tilespmem:$0xB0];
	_ =	sdelay $0x7  }
0x33: {  	[tilespmem:v10+s9+$0x0] =	vst.idx.add.f32.msk $0xffff, v2  }
0x34: {  	v10 =	vld [tilespmem:$0xC0];
	_ =	sdelay $0x7  }
0x35: {  	[tilespmem:v10+s9+$0x0] =	vst.idx.add.f32.msk $0xffff, v2  }
0x36: {  	v10 =	vld [tilespmem:$0xD0];
	_ =	sdelay $0x7  }
0x37: {  	[tilespmem:v10+s9+$0x0] =	vst.idx.add.f32.msk $0xffff, v2  }
0x38: {  	v10 =	vld [tilespmem:$0xE0];
	_ =	sdelay $0x7  }
0x39: {  	[tilespmem:v10+s9+$0x0] =	vst.idx.add.f32.msk $0xffff, v2  }
0x3a: {  	v10 =	vld [tilespmem:$0xF0];
	_ =	sdelay $0x7  }
0x3b: {  	[tilespmem:v10+s9+$0x0] =	vst.idx.add.f32.msk $0xffff, v2  }
0x3c: {  	v10 =	vld [tilespmem:$0x100];
	_ =	sdelay $0x7  }
0x3d: {  	[tilespmem:v10+s9+$0x0] =	vst.idx.add.f32.msk $0xffff, v2  }
0x3e: {  	v10 =	vld [tilespmem:$0x110];
	_ =	sdelay $0x7  }
0x3f: {  	[tilespmem:v10+s9+$0x0] =	vst.idx.add.f32.msk $0xffff, v2  }
0x40: {  	v10 =	vld [tilespmem:$0x120];
	_ =	sdelay $0x7  }
0x41: {  	[tilespmem:v10+s9+$0x0] =	vst.idx.add.f32.msk $0xffff, v2  }
0x42: {  	v10 =	vld [tilespmem:$0x130];
	_ =	sdelay $0x7  }
0x43: {  	[tilespmem:v10+s9+$0x0] =	vst.idx.add.f32.msk $0xffff, v2  }
0x44: {  	v10 =	vld [tilespmem:$0x140];
	_ =	sdelay $0x7  }
0x45: {  	[tilespmem:v10+s9+$0x0] =	vst.idx.add.f32.msk $0xffff, v2  }
0x46: {  	v10 =	vld [tilespmem:$0x150];
	_ =	sdelay $0x7  }
0x47: {  	[tilespmem:v10+s9+$0x0] =	vst.idx.add.f32.msk $0xffff, v2  }
0x48: {  	v10 =	vld [tilespmem:$0x160];
	_ =	sdelay $0x7  }
0x49: {  	[tilespmem:v10+s9+$0x0] =	vst.idx.add.f32.msk $0xffff, v2  }
0x4a: {  	v10 =	vld [tilespmem:$0x170];
	_ =	sdelay $0x7  }
0x4b: {  	[tilespmem:v10+s9+$0x0] =	vst.idx.add.f32.msk $0xffff, v2  }
0x4c: {  	v10 =	vld [tilespmem:$0x180];
	_ =	sdelay $0x7  }
0x4d: {  	[tilespmem:v10+s9+$0x0] =	vst.idx.add.f32.msk $0xffff, v2  }
0x4e: {  	v10 =	vld [tilespmem:$0x190];
	_ =	sdelay $0x7  }
0x4f: {  	[tilespmem:v10+s9+$0x0] =	vst.idx.add.f32.msk $0xffff, v2  }
0x50: {  	v10 =	vld [tilespmem:$0x1A0];
	_ =	sdelay $0x7  }
0x51: {  	[tilespmem:v10+s9+$0x0] =	vst.idx.add.f32.msk $0xffff, v2  }
0x52: {  	v10 =	vld [tilespmem:$0x1B0];
	_ =	sdelay $0x7  }
0x53: {  	[tilespmem:v10+s9+$0x0] =	vst.idx.add.f32.msk $0xffff, v2  }
0x54: {  	v10 =	vld [tilespmem:$0x1C0];
	_ =	sdelay $0x7  }
0x55: {  	[tilespmem:v10+s9+$0x0] =	vst.idx.add.f32.msk $0xffff, v2  }
0x56: {  	v10 =	vld [tilespmem:$0x1D0];
	_ =	sdelay $0x7  }
0x57: {  	[tilespmem:v10+s9+$0x0] =	vst.idx.add.f32.msk $0xffff, v2  }
0x58: {  	v10 =	vld [tilespmem:$0x1E0];
	_ =	sdelay $0x7  }
0x59: {  	[tilespmem:v10+s9+$0x0] =	vst.idx.add.f32.msk $0xffff, v2  }
0x5a: {  	v10 =	vld [tilespmem:$0x1F0];
	_ =	sdelay $0x7  }
0x5b: {  	[tilespmem:v10+s9+$0x0] =	vst.idx.add.f32.msk $0xffff, v2  }
0x5c: {  	v10 =	vld [tilespmem:$0x200];
	_ =	sdelay $0x7  }
0x5d: {  	[tilespmem:v10+s9+$0x0] =	vst.idx.add.f32.msk $0xffff, v2  }
0x5e: {  	v10 =	vld [tilespmem:$0x210];
	_ =	sdelay $0x7  }
0x5f: {  	[tilespmem:v10+s9+$0x0] =	vst.idx.add.f32.msk $0xffff, v2  }
0x60: {  	v10 =	vld [tilespmem:$0x220];
	_ =	sdelay $0x7  }
0x61: {  	[tilespmem:v10+s9+$0x0] =	vst.idx.add.f32.msk $0xffff, v2  }
0x62: {  	v10 =	vld [tilespmem:$0x230];
	_ =	sdelay $0x7  }
0x63: {  	[tilespmem:v10+s9+$0x0] =	vst.idx.add.f32.msk $0xffff, v2  }
0x64: {  	v10 =	vld [tilespmem:$0x240];
	_ =	sdelay $0x7  }
0x65: {  	[tilespmem:v10+s9+$0x0] =	vst.idx.add.f32.msk $0xffff, v2  }
0x66: {  	v10 =	vld [tilespmem:$0x250];
	_ =	sdelay $0x7  }
0x67: {  	[tilespmem:v10+s9+$0x0] =	vst.idx.add.f32.msk $0xffff, v2  }
0x68: {  	v10 =	vld [tilespmem:$0x260];
	_ =	sdelay $0x7  }
0x69: {  	[tilespmem:v10+s9+$0x0] =	vst.idx.add.f32.msk $0xffff, v2  }
0x6a: {  	v10 =	vld [tilespmem:$0x270];
	_ =	sdelay $0x7  }
0x6b: {  	[tilespmem:v10+s9+$0x0] =	vst.idx.add.f32.msk $0xffff, v2  }
0x6c: {  	v10 =	vld [tilespmem:$0x280];
	_ =	sdelay $0x7  }
0x6d: {  	[tilespmem:v10+s9+$0x0] =	vst.idx.add.f32.msk $0xffff, v2  }
0x6e: {  	v10 =	vld [tilespmem:$0x290];
	_ =	sdelay $0x7  }
0x6f: {  	[tilespmem:v10+s9+$0x0] =	vst.idx.add.f32.msk $0xffff, v2  }
0x70: {  	v10 =	vld [tilespmem:$0x2A0];
	_ =	sdelay $0x7  }
0x71: {  	[tilespmem:v10+s9+$0x0] =	vst.idx.add.f32.msk $0xffff, v2  }
0x72: {  	v10 =	vld [tilespmem:$0x2B0];
	_ =	sdelay $0x7  }
0x73: {  	[tilespmem:v10+s9+$0x0] =	vst.idx.add.f32.msk $0xffff, v2  }
0x74: {  	v10 =	vld [tilespmem:$0x2C0];
	_ =	sdelay $0x7  }
0x75: {  	[tilespmem:v10+s9+$0x0] =	vst.idx.add.f32.msk $0xffff, v2  }
0x76: {  	v10 =	vld [tilespmem:$0x2D0];
	_ =	sdelay $0x7  }
0x77: {  	[tilespmem:v10+s9+$0x0] =	vst.idx.add.f32.msk $0xffff, v2  }
0x78: {  	v10 =	vld [tilespmem:$0x2E0];
	_ =	sdelay $0x7  }
0x79: {  	[tilespmem:v10+s9+$0x0] =	vst.idx.add.f32.msk $0xffff, v2  }
0x7a: {  	v10 =	vld [tilespmem:$0x2F0];
	_ =	sdelay $0x7  }
0x7b: {  	[tilespmem:v10+s9+$0x0] =	vst.idx.add.f32.msk $0xffff, v2  }
0x7c: {  	v10 =	vld [tilespmem:$0x300];
	_ =	sdelay $0x7  }
0x7d: {  	[tilespmem:v10+s9+$0x0] =	vst.idx.add.f32.msk $0xffff, v2  }
0x7e: {  	v10 =	vld [tilespmem:$0x310];
	_ =	sdelay $0x7  }
0x7f: {  	[tilespmem:v10+s9+$0x0] =	vst.idx.add.f32.msk $0xffff, v2  }
0x80: {  	v10 =	vld [tilespmem:$0x320];
	_ =	sdelay $0x7  }
0x81: {  	[tilespmem:v10+s9+$0x0] =	vst.idx.add.f32.msk $0xffff, v2  }
0x82: {  	v10 =	vld [tilespmem:$0x330];
	_ =	sdelay $0x7  }
0x83: {  	[tilespmem:v10+s9+$0x0] =	vst.idx.add.f32.msk $0xffff, v2  }
0x84: {  	v10 =	vld [tilespmem:$0x340];
	_ =	sdelay $0x7  }
0x85: {  	[tilespmem:v10+s9+$0x0] =	vst.idx.add.f32.msk $0xffff, v2  }
0x86: {  	v10 =	vld [tilespmem:$0x350];
	_ =	sdelay $0x7  }
0x87: {  	[tilespmem:v10+s9+$0x0] =	vst.idx.add.f32.msk $0xffff, v2  }
0x88: {  	v10 =	vld [tilespmem:$0x360];
	_ =	sdelay $0x7  }
0x89: {  	[tilespmem:v10+s9+$0x0] =	vst.idx.add.f32.msk $0xffff, v2  }
0x8a: {  	v10 =	vld [tilespmem:$0x370];
	_ =	sdelay $0x7  }
0x8b: {  	[tilespmem:v10+s9+$0x0] =	vst.idx.add.f32.msk $0xffff, v2  }
0x8c: {  	v10 =	vld [tilespmem:$0x380];
	_ =	sdelay $0x7  }
0x8d: {  	[tilespmem:v10+s9+$0x0] =	vst.idx.add.f32.msk $0xffff, v2  }
0x8e: {  	v10 =	vld [tilespmem:$0x390];
	_ =	sdelay $0x7  }
0x8f: {  	[tilespmem:v10+s9+$0x0] =	vst.idx.add.f32.msk $0xffff, v2  }
0x90: {  	v10 =	vld [tilespmem:$0x3A0];
	_ =	sdelay $0x7  }
0x91: {  	[tilespmem:v10+s9+$0x0] =	vst.idx.add.f32.msk $0xffff, v2  }
0x92: {  	v10 =	vld [tilespmem:$0x3B0];
	_ =	sdelay $0x7  }
0x93: {  	[tilespmem:v10+s9+$0x0] =	vst.idx.add.f32.msk $0xffff, v2  }
0x94: {  	v10 =	vld [tilespmem:$0x3C0];
	_ =	sdelay $0x7  }
0x95: {  	[tilespmem:v10+s9+$0x0] =	vst.idx.add.f32.msk $0xffff, v2  }
0x96: {  	v10 =	vld [tilespmem:$0x3D0];
	_ =	sdelay $0x7  }
0x97: {  	[tilespmem:v10+s9+$0x0] =	vst.idx.add.f32.msk $0xffff, v2  }
0x98: {  	v10 =	vld [tilespmem:$0x3E0];
	_ =	sdelay $0x7  }
0x99: {  	[tilespmem:v10+s9+$0x0] =	vst.idx.add.f32.msk $0xffff, v2  }
0x9a: {  	v10 =	vld [tilespmem:$0x3F0];
	_ =	sdelay $0x7  }
.Ltmp4:
0x9b: {  	[tilespmem:v10+s9+$0x0] =	vst.idx.add.f32.msk $0xffff, v2;
	(pc) =	sbr.rel .LBB2_3-.Ltmp4, $4  }
0x9c: {  	[hbm4b:s10+s3] =	stream.linear.scatter [tilespmem:s9], [sflag:$0x1], $0x80, $0x38;
	[tilespmem:$0x1D00] =	vst v63  }
0x9d: {  	_ =	swait.ge [sflag:s8], $0x80  }
0x9e: {  	[sflag:s8] =	ssyncset.done $0x0  }
0x9f: {  	[sflag:s8] =	ssyncadd.s32 $0xFFFFFF80  }
.LBB2_4:
0xa0: {  	[tilespmem:s11], [sflag:$0x1] =	stream.linear.gather [hbm4b:s2+s3], $0x800, $0x38;
	[tilespmem:$0x1D00] =	vst v63  }
0xa1: {  	_ =	swait.ge [sflag:s8], $0x800  }
0xa2: {  	[sflag:s8] =	ssyncset.done $0x0  }
0xa3: {  	[sflag:s8] =	ssyncadd.s32 $0xFFFFF800  }
0xa4: {  	[tilespmem:s12], [sflag:$0x1] =	stream.linear.gather [hbm4b:s5+s3], $0x1000, $0x38;
	[tilespmem:$0x1D00] =	vst v63  }
0xa5: {  	_ =	swait.ge [sflag:s8], $0x1000  }
0xa6: {  	[sflag:s8] =	ssyncset.done $0x0  }
0xa7: {  	[sflag:s8] =	ssyncadd.s32 $0xFFFFF000  }
0xa8: {  	v10 =	vld [tilespmem:$0x1480]  }
0xa9: {  	v11 =	vld [tilespmem:$0x1500]  }
0xaa: {  	v12 =	vld [tilespmem:$0x1580]  }
0xab: {  	v13 =	vld [tilespmem:$0x1600]  }
0xac: {  	v14 =	vld.idx.msk [tilespmem:v0+s12+$0x0], $0xffff  }
0xad: {  	v15 =	vld [tilespmem:$0x1490]  }
0xae: {  	v16 =	vld [tilespmem:$0x1510]  }
0xaf: {  	v17 =	vld [tilespmem:$0x1590]  }
0xb0: {  	v18 =	vld [tilespmem:$0x1610]  }
0xb1: {  	v19 =	vld.idx.msk [tilespmem:v3+s12+$0x0], $0xffff  }
0xb2: {  	v20 =	vld [tilespmem:$0x1680]  }
0xb3: {  	v21 =	vld [tilespmem:$0x1700]  }
0xb4: {  	v22 =	vld [tilespmem:$0x1780]  }
0xb5: {  	v23 =	vld [tilespmem:$0x1800]  }
0xb6: {  	v24 =	vld.idx.msk [tilespmem:v4+s12+$0x0], $0xffff  }
0xb7: {  	v25 =	vld [tilespmem:$0x1690]  }
0xb8: {  	v26 =	vld [tilespmem:$0x1710]  }
0xb9: {  	v27 =	vld [tilespmem:$0x1790]  }
0xba: {  	v28 =	vld [tilespmem:$0x1810]  }
0xbb: {  	v29 =	vld.idx.msk [tilespmem:v5+s12+$0x0], $0xffff  }
0xbc: {  	v30 =	vld [tilespmem:$0x1880]  }
0xbd: {  	v31 =	vld [tilespmem:$0x1900]  }
0xbe: {  	v32 =	vld [tilespmem:$0x1A00];
	v10 =	vadd.f32 $0.0e+00, v10  }
0xbf: {  	v40 =	vld.idx.msk [tilespmem:v6+s12+$0x0], $0xffff  }
0xc0: {  	v50 =	vld [tilespmem:$0x1A80];
	v15 =	vadd.f32 $0.0e+00, v15;
	v10 =	vadd.f32 v11, v10  }
0xc1: {  	v41 =	vld [tilespmem:$0x1890];
	v39 =	vadd.f32 $0.0e+00, v20;
	v43 =	vadd.f32 $0.0e+00, v25  }
0xc2: {  	v42 =	vld [tilespmem:$0x1910];
	v15 =	vadd.f32 v16, v15;
	v10 =	vadd.f32 v12, v10  }
0xc3: {  	v44 =	vld [tilespmem:$0x1990];
	v49 =	vadd.f32 $0.0e+00, v30;
	v12 =	vadd.f32 v21, v39  }
0xc4: {  	v45 =	vld [tilespmem:$0x1A10];
	v15 =	vadd.f32 v17, v15;
	v10 =	vadd.f32 v13, v10  }
0xc5: {  	v56 =	vadd.f32 $0.0e+00, v50;
	v11 =	vld [tilespmem:$0x1980];
	v47 =	vadd.f32 v26, v43  }
0xc6: {  	v52 =	vld [tilespmem:$0x1A90];
	v12 =	vadd.f32 v22, v12;
	v46 =	vadd.f32 v18, v15;
	v10 =	vmul.f32 v14, v10  }
0xc7: {  	v48 =	vld.idx.msk [tilespmem:v7+s12+$0x0], $0xffff;
	v15 =	vadd.f32 v27, v47;
	v18 =	vadd.f32 v31, v49  }
0xc8: {  	v51 =	vld [tilespmem:$0x1B00];
	v12 =	vadd.f32 v23, v12;
	v14 =	vmul.f32 v19, v46;
	v10 =	vadd.f32 $0.0e+00, v10  }
0xc9: {  	v55 =	vld [tilespmem:$0x1B10];
	v16 =	vadd.f32 $0.0e+00, v41;
	v53 =	vadd.f32 v28, v15  }
0xca: {  	v54 =	vld [tilespmem:$0x1B80];
	v11 =	vadd.f32 v11, v18;
	v12 =	vmul.f32 v24, v12;
	v10 =	vadd.f32 v14, v10  }
0xcb: {  	v57 =	vld [tilespmem:$0x1C00];
	v60 =	vadd.f32 $0.0e+00, v52;
	v13 =	vadd.f32 v42, v16  }
0xcc: {  	v58 =	vld [tilespmem:$0x1B90];
	v11 =	vadd.f32 v32, v11;
	v14 =	vmul.f32 v29, v53;
	v10 =	vadd.f32 v12, v10  }
0xcd: {  	v59 =	vld.idx.msk [tilespmem:v8+s12+$0x0], $0xffff;
	v13 =	vadd.f32 v44, v13;
	v12 =	vadd.f32 v51, v56  }
0xce: {  	v61 =	vld [tilespmem:$0x1C10];
	v62 =	vadd.f32 v55, v60;
	v11 =	vmul.f32 v40, v11;
	v10 =	vadd.f32 v14, v10  }
0xcf: {  	v13 =	vadd.f32 v45, v13;
	v12 =	vadd.f32 v54, v12  }
0xd0: {  	v10 =	vadd.f32 v11, v10;
	v11 =	vld.idx.msk [tilespmem:v9+s12+$0x0], $0xffff  }
0xd1: {  	v15 =	vadd.f32 v58, v62;
	v13 =	vmul.f32 v48, v13;
	v12 =	vadd.f32 v57, v12;
	_ =	sdelay $0x1  }
0xd2: {  	v63 =	vadd.f32 v61, v15;
	v10 =	vadd.f32 v13, v10;
	v12 =	vmul.f32 v59, v12;
	_ =	sdelay $0x1  }
0xd3: {  	v10 =	vadd.f32 v12, v10;
	v11 =	vmul.f32 v11, v63;
	_ =	sdelay $0x1  }
0xd4: {  	v10 =	vadd.f32 v11, v10;
	_ =	sdelay $0x1  }
0xd5: {  	(xrf2) =	vadd.scan.msk.f32 $0xffff, v10;
	_ =	sdelay $0x9  }
0xd6: {  	v10, _, _ =	vpop (xrf2)  }
0xd7: {  	(v2sf) =	vpush v10, $0xF;
	_ =	sdelay $0xe  }
0xd8: {  	s14 =	spop (v2sf)  }
0xd9: {  	s14 =	smul.f32 $4.768371810e-10, s14;
	_ =	sdelay $0x1  }
0xda: {  	v10 =	vmov s14  }
0xdb: {  	v10 =	vnsel vm0, $0x0, v10  }
.Ltmp5:
0xdc: {  	[tilespmem:$0x1C80] =	vst v10;
	(pc) =	sbr.rel .LBB2_5-.Ltmp5, $4  }
0xdd: {  	[hbm4b:s1+s3] =	stream.linear.scatter [tilespmem:s13], [sflag:$0x1], $0x80, $0x38;
	[tilespmem:$0x1D00] =	vst v63  }
0xde: {  	_ =	swait.ge [sflag:s8], $0x80  }
0xdf: {  	[sflag:s8] =	ssyncset.done $0x0  }
0xe0: {  	[sflag:s8] =	ssyncadd.s32 $0xFFFFFF80  }
.LBB2_6:
0xe1: {  	_ =	sfence.sel $0x180000  }
0xe2: {  	[bflag:$0x0] =	sbarrier.arrive $0xFFFF  }
0xe3: {  	p0 =	sne.s32 s4, $0x0;
	_ =	strace $0x90000047  }
0xe4: {  	s0 =	sadd.s32 @!p0 $0x100000, s0;
	[bflag:$0x2] =	sbarrier.arrive $0xFFFF  }
0xe5: {  	[sflag:s0] =	ssyncadd.tile.s32 @!p0 $0x1;
	_ =	shalt  }
.Lfunc_end2:
_tile_overlayer_lowered:
.L_overlay_start_2:
0xe6: {  	(tag) =	ssettag $0x2  }
0xe7: {  	s0 =	rddreg [dreg:$0x0];
	s2 =	stileid.u32  }
0xe8: {  	s1 =	rddreg [dreg:$0x1];
	p0 =	sne.s32 s2, $0x0  }
0xe9: {  	s3 =	rddreg [dreg:$0x2];
	[bflag:$0x3] =	sbarrier.arrive $0xFFFF;
	s2 =	simm.s32 @!p0 $0x1C01  }
0xea: {  	[timem:s3], [sflag:s2] =	dma.local @!p0 [hbm:s0], s1  }
0xeb: {  	s0 =	simm.s32 @!p0 $0x1  }
0xec: {  	_ =	swait.ge @!p0 [sflag:s0], s1  }
0xed: {  	s1 =	ssub.s32 @!p0 $0x0, s1;
	[sflag:s0] =	ssyncset.done @!p0 $0x0  }
0xee: {  	[sflag:s0] =	ssyncadd.s32 @!p0 s1  }
0xef: {  	[bflag:$0x3] =	sbarrier.arrive $0xFFFF  }
0xf0: {  	_ =	shalt  }

</sc_bundles>
